<compile_context>
chip_gen: v7x
topology: tpu7x:2x2x1
jax: 0.10.2.dev20260603
libtpu: 0.0.44.dev20260713+nightly
codegen_flags: <defaults>
</compile_context>

<pallas_src>
import functools

import jax
import jax.numpy as jnp
import numpy as np
from jax import lax
from jax.experimental import pallas as pl
from jax.experimental.pallas import tpu as pltpu
from jax.experimental.pallas import tpu_sc as plsc

B, Q, C, G, P = 64, 100, 3, 30, 20
ALPHA, GAMMA = 0.25, 2.0
NUM_BOXES = float(B * G)

NW = 32
NR = G * P * 2



def _log1p01(e):
    u = e / (2.0 + e)
    w = u * u
    poly = 1.0 + w * (1.0 / 3.0 + w * (1.0 / 5.0 + w * (1.0 / 7.0 + w * (1.0 / 9.0))))
    return 2.0 * u * poly


def _sc_body(lg_hbm, lb_hbm, out_hbm, lg2_s, lab_s, out_s, sem):
    wid = lax.axis_index("s")
    b0 = wid * 4
    lo = b0 & 7

    h_lg2 = [pltpu.async_copy(lg_hbm.at[pl.ds(c * B + 8 * (wid >> 1), 8)],
                              lg2_s.at[pl.ds(8 * c, 8)], sem)
             for c in range(C)]
    h_lab = pltpu.async_copy(lb_hbm, lab_s, sem)

    iota16 = lax.iota(jnp.int32, 16)
    zero16 = jnp.zeros((16,), jnp.float32)

    for h in h_lg2:
        h.wait()
    h_lab.wait()

    def t2_body(i, acc):
        qg = i * 16 + iota16
        qgc = jnp.minimum(qg, 4 * G - 1)
        pi = qgc // G
        qq = qgc - pi * G
        lab = plsc.load_gather(lab_s, [qq, b0 + pi])
        x = plsc.load_gather(lg2_s, [lab * 8 + lo + pi, qq])
        e = jnp.exp(-jnp.abs(x))
        inv = 1.0 / (1.0 + e)
        p = jnp.where(x >= 0.0, inv, 1.0 - inv)
        ce0 = jnp.maximum(x, 0.0) + _log1p01(e)
        f0 = (1.0 - ALPHA) * (p * p) * ce0
        omp = 1.0 - p
        f1 = ALPHA * (omp * omp) * (ce0 - x)
        return acc + jnp.where(qg < 4 * G, f1 - f0, 0.0)

    acc_ce = lax.fori_loop(0, 8, t2_body, zero16)

    out16 = jnp.where(iota16 == 0, jnp.sum(acc_ce), 0.0) / NUM_BOXES
    out_s[...] = out16
    pltpu.sync_copy(out_s, out_hbm.at[wid])


@functools.cache
def _sc_call():
    return pl.kernel(
        _sc_body,
        out_type=jax.ShapeDtypeStruct((16, 16), jnp.float32),
        mesh=plsc.VectorSubcoreMesh(core_axis_name="c", subcore_axis_name="s",
                                    num_cores=1, num_subcores=16),
        compiler_params=pltpu.CompilerParams(needs_layout_passes=False),
        scratch_types=[
            pltpu.VMEM((3 * 8, Q), jnp.float32),
            pltpu.VMEM((G, B), jnp.int32),
            pltpu.VMEM((16,), jnp.float32),
            pltpu.SemaphoreType.DMA,
        ],
    )



def _tc_body(lg_ref, pp_ref, tg_ref, out_ref):
    x = lg_ref[...]
    e = jnp.exp(-jnp.abs(x))
    inv = 1.0 / (1.0 + e)
    p = jnp.where(x >= 0.0, inv, 1.0 - inv)
    ce0 = jnp.maximum(x, 0.0) + jnp.log1p(e)
    t1 = jnp.sum((1.0 - ALPHA) * (p * p) * ce0)

    tgm = jnp.transpose(
        jnp.transpose(tg_ref[...], (1, 0)).reshape(B, G, 2 * P), (0, 2, 1))
    s3 = pp_ref[...].reshape(B, 2 * P, Q)[:, :, :G]
    l1 = jnp.sum(jnp.abs(s3 - tgm))

    sd = s3[:, 2:2 * P, :] - s3[:, 0:2 * P - 2, :]
    td = tgm[:, 2:2 * P, :] - tgm[:, 0:2 * P - 2, :]
    qd = sd * td
    qs = sd * sd
    qt = td * td
    ud = qd[:, 0:37, :] + qd[:, 1:38, :]
    us = qs[:, 0:37, :] + qs[:, 1:38, :]
    ut = qt[:, 0:37, :] + qt[:, 1:38, :]
    cos = ud * lax.rsqrt(jnp.maximum(us * ut, 1e-24))
    msk = lax.broadcasted_iota(jnp.int32, (B, 37, G), 1) % 2 == 0
    dirv = jnp.sum(jnp.where(msk, 1.0 - cos, 0.0))

    col = lax.broadcasted_iota(jnp.int32, (8, 128), 1)
    out_ref[...] = jnp.where(col == 0, t1,
                             jnp.where(col == 1, l1,
                                       jnp.where(col == 2, dirv,
                                                 0.0))) / NUM_BOXES


@functools.cache
def _tc_call():
    return pl.pallas_call(
        _tc_body,
        out_shape=jax.ShapeDtypeStruct((8, 128), jnp.float32),
    )


def kernel(pred_logits, pred_points, labels, target_points):
    lg = jnp.transpose(pred_logits, (2, 0, 1)).reshape(C * B, Q)
    pp = jnp.transpose(pred_points, (0, 2, 3, 1)).reshape(B * P * 2, Q)
    lb = jnp.transpose(labels, (1, 0)).astype(jnp.int32)
    tg = jnp.transpose(target_points, (1, 2, 3, 0)).reshape(NR, B)
    sc_part = _sc_call()(lg, lb)
    tc_part = _tc_call()(lg, pp, tg)
    return sc_part.sum(axis=0)[:3] + tc_part[0, :3]

# --- scband reference (transcript-rebuilt; emitter-appended) ---
"""Pipeline reference for scband-map-loss-71983651881164 (READ-ONLY COPY).

The authoritative reference and input builder live on the scoring server;
editing this copy changes nothing except your own understanding.
"""

import jax, jax.numpy as jnp
import numpy as np

B, Q, C, G, P = 64, 100, 3, 30, 20
ALPHA, GAMMA = 0.25, 2.0

def setup_inputs(seed: int = 0) -> dict:
    key = jax.random.key(seed)
    k1, k2, k3, k4 = jax.random.split(key, 4)
    pred_logits = jax.random.normal(k1, (B, Q, C), dtype=jnp.float32)
    pred_points = jax.random.uniform(k2, (B, Q, P, 2), dtype=jnp.float32)
    labels = jax.random.randint(k3, (B, G), 0, C, dtype=jnp.int64)
    target_points = jax.random.uniform(k4, (B, G, P, 2), dtype=jnp.float32)
    return {"pred_logits": pred_logits, "pred_points": pred_points, "labels": labels, "target_points": target_points}


def _sigmoid_focal_loss(logits, targets, alpha, gamma):
    # numerically-stable BCE with logits
    ce = jnp.maximum(logits, 0.0) - logits * targets + jnp.log1p(jnp.exp(-jnp.abs(logits)))
    p = jax.nn.sigmoid(logits)
    p_t = p * targets + (1.0 - p) * (1.0 - targets)
    loss = ce * ((1.0 - p_t) ** gamma)
    alpha_t = alpha * targets + (1.0 - alpha) * (1.0 - targets)
    return alpha_t * loss


def _normalize(v, eps=1e-6):
    # torch F.normalize: v / max(||v||, eps)
    n = jnp.linalg.norm(v, axis=-1, keepdims=True)
    return v / jnp.maximum(n, eps)


def reference(pred_logits, pred_points, labels, target_points):
    # Matcher: identity assignment (query i <-> GT i for i < G) per batch element.
    num_boxes = jnp.maximum(jnp.asarray(B * G, dtype=jnp.float32), 1.0)

    # ---- loss_ce: sigmoid focal loss ----
    b_idx = jnp.arange(B)[:, None]          # [B,1]
    q_idx = jnp.arange(G)[None, :]          # [1,G] matched src queries
    onehot = jnp.zeros((B, Q, C), dtype=pred_logits.dtype)
    onehot = onehot.at[jnp.broadcast_to(b_idx, (B, G)), jnp.broadcast_to(q_idx, (B, G)), labels].set(1.0)
    loss_ce = _sigmoid_focal_loss(pred_logits, onehot, ALPHA, GAMMA).sum() / num_boxes

    # ---- loss_bbox: L1 on matched points ----
    src_points = pred_points[:, :G]         # [B,G,P,2] (identity match)
    loss_bbox = jnp.abs(src_points - target_points).sum() / num_boxes

    # ---- loss_dir: cosine similarity on edge vectors ----
    src_vecs = src_points[:, :, 1:] - src_points[:, :, :-1]
    tgt_vecs = target_points[:, :, 1:] - target_points[:, :, :-1]
    sn = _normalize(src_vecs)
    tn = _normalize(tgt_vecs)
    cos = (sn * tn).sum(axis=-1)
    loss_dir = (1.0 - cos).sum() / num_boxes

    return jnp.stack([loss_ce, loss_bbox, loss_dir])

if __name__ == "__main__":
    import jax
    _d = setup_inputs()
    print(jax.jit(kernel)(*tuple(_d.values())))

</pallas_src>

<mosaic_0001>
#map = affine_map<(d0, d1) -> (0, 0)>
module attributes {stable_mosaic.version = 14 : i64} {
  func.func @_sc_body(%arg0: i32, %arg1: i32, %arg2: memref<192x100xf32, #tpu.memory_space<hbm>>, %arg3: memref<30x64xi32, #tpu.memory_space<hbm>>, %arg4: memref<16x16xf32, #tpu.memory_space<hbm>>, %arg5: memref<24x100xf32, #tpu.memory_space<vmem>>, %arg6: memref<30x64xi32, #tpu.memory_space<vmem>>, %arg7: memref<16xf32, #tpu.memory_space<vmem>>, %arg8: memref<!tpu.dma_semaphore, #tpu.memory_space<semaphore_mem>>) attributes {dimension_semantics = [#tpu.dimension_semantics<core_parallel>, #tpu.dimension_semantics<subcore_parallel>], iteration_bounds = array<i64: 1, 16>, scalar_prefetch = 0 : i64, scratch_operands = 4 : i64, tpu.core_type = #tpu.core_type<sc_vector_subcore>, window_params = [{transform_indices = #map}, {transform_indices = #map}, {transform_indices = #map}]} {
    %mul3A = arith.constant 4 : i32
    %mul3A_0 = arith.muli %arg1, %mul3A : i32
    %and3A = arith.constant 7 : i32
    %and3A_1 = arith.andi %mul3A_0, %and3A : i32
    %shift_right_arithmetic3A = arith.constant 1 : i32
    %shift_right_arithmetic3A_2 = arith.shrsi %arg1, %shift_right_arithmetic3A : i32
    %mul3A_3 = arith.constant 8 : i32
    %mul3A_4 = arith.muli %mul3A_3, %shift_right_arithmetic3A_2 : i32
    %add3A = arith.constant 0 : i32
    %add3A_5 = arith.addi %add3A, %mul3A_4 : i32
    %dma_start3A = arith.constant 0 : i32
    %dma_start3A_6 = arith.constant 0 : i32
    %dma_start3A_7 = tpu.memref_slice %arg5[%dma_start3A, %dma_start3A_6] : memref<24x100xf32, #tpu.memory_space<vmem>> -> memref<8x100xf32, #tpu.memory_space<vmem>>
    %dma_start3A_8 = arith.constant 0 : i32
    %dma_start3A_9 = tpu.memref_slice %arg2[%add3A_5, %dma_start3A_8] : memref<192x100xf32, #tpu.memory_space<hbm>> -> memref<8x100xf32, #tpu.memory_space<hbm>>
    %dma_start3A_10 = arith.constant 0 : i32
    %dma_start3A_11 = arith.constant 0 : i32
    %dma_start3A_12 = tpu.memref_slice %arg5[%dma_start3A_10, %dma_start3A_11] : memref<24x100xf32, #tpu.memory_space<vmem>> -> memref<8x100xf32, #tpu.memory_space<vmem>>
    %dma_start3A_13 = arith.constant 0 : i32
    %dma_start3A_14 = tpu.memref_slice %arg2[%add3A_5, %dma_start3A_13] : memref<192x100xf32, #tpu.memory_space<hbm>> -> memref<8x100xf32, #tpu.memory_space<hbm>>
    tpu.enqueue_dma source(%dma_start3A_14 : memref<8x100xf32, #tpu.memory_space<hbm>>) target(%dma_start3A_12 : memref<8x100xf32, #tpu.memory_space<vmem>>) target_semaphore(%arg8 : memref<!tpu.dma_semaphore, #tpu.memory_space<semaphore_mem>>)
    %shift_right_arithmetic3A_15 = arith.constant 1 : i32
    %shift_right_arithmetic3A_16 = arith.shrsi %arg1, %shift_right_arithmetic3A_15 : i32
    %mul3A_17 = arith.constant 8 : i32
    %mul3A_18 = arith.muli %mul3A_17, %shift_right_arithmetic3A_16 : i32
    %add3A_19 = arith.constant 64 : i32
    %add3A_20 = arith.addi %add3A_19, %mul3A_18 : i32
    %dma_start3A_21 = arith.constant 8 : i32
    %dma_start3A_22 = arith.constant 0 : i32
    %dma_start3A_23 = tpu.memref_slice %arg5[%dma_start3A_21, %dma_start3A_22] : memref<24x100xf32, #tpu.memory_space<vmem>> -> memref<8x100xf32, #tpu.memory_space<vmem>>
    %dma_start3A_24 = arith.constant 0 : i32
    %dma_start3A_25 = tpu.memref_slice %arg2[%add3A_20, %dma_start3A_24] : memref<192x100xf32, #tpu.memory_space<hbm>> -> memref<8x100xf32, #tpu.memory_space<hbm>>
    %dma_start3A_26 = arith.constant 8 : i32
    %dma_start3A_27 = arith.constant 0 : i32
    %dma_start3A_28 = tpu.memref_slice %arg5[%dma_start3A_26, %dma_start3A_27] : memref<24x100xf32, #tpu.memory_space<vmem>> -> memref<8x100xf32, #tpu.memory_space<vmem>>
    %dma_start3A_29 = arith.constant 0 : i32
    %dma_start3A_30 = tpu.memref_slice %arg2[%add3A_20, %dma_start3A_29] : memref<192x100xf32, #tpu.memory_space<hbm>> -> memref<8x100xf32, #tpu.memory_space<hbm>>
    tpu.enqueue_dma source(%dma_start3A_30 : memref<8x100xf32, #tpu.memory_space<hbm>>) target(%dma_start3A_28 : memref<8x100xf32, #tpu.memory_space<vmem>>) target_semaphore(%arg8 : memref<!tpu.dma_semaphore, #tpu.memory_space<semaphore_mem>>)
    %shift_right_arithmetic3A_31 = arith.constant 1 : i32
    %shift_right_arithmetic3A_32 = arith.shrsi %arg1, %shift_right_arithmetic3A_31 : i32
    %mul3A_33 = arith.constant 8 : i32
    %mul3A_34 = arith.muli %mul3A_33, %shift_right_arithmetic3A_32 : i32
    %add3A_35 = arith.constant 128 : i32
    %add3A_36 = arith.addi %add3A_35, %mul3A_34 : i32
    %dma_start3A_37 = arith.constant 16 : i32
    %dma_start3A_38 = arith.constant 0 : i32
    %dma_start3A_39 = tpu.memref_slice %arg5[%dma_start3A_37, %dma_start3A_38] : memref<24x100xf32, #tpu.memory_space<vmem>> -> memref<8x100xf32, #tpu.memory_space<vmem>>
    %dma_start3A_40 = arith.constant 0 : i32
    %dma_start3A_41 = tpu.memref_slice %arg2[%add3A_36, %dma_start3A_40] : memref<192x100xf32, #tpu.memory_space<hbm>> -> memref<8x100xf32, #tpu.memory_space<hbm>>
    %dma_start3A_42 = arith.constant 16 : i32
    %dma_start3A_43 = arith.constant 0 : i32
    %dma_start3A_44 = tpu.memref_slice %arg5[%dma_start3A_42, %dma_start3A_43] : memref<24x100xf32, #tpu.memory_space<vmem>> -> memref<8x100xf32, #tpu.memory_space<vmem>>
    %dma_start3A_45 = arith.constant 0 : i32
    %dma_start3A_46 = tpu.memref_slice %arg2[%add3A_36, %dma_start3A_45] : memref<192x100xf32, #tpu.memory_space<hbm>> -> memref<8x100xf32, #tpu.memory_space<hbm>>
    tpu.enqueue_dma source(%dma_start3A_46 : memref<8x100xf32, #tpu.memory_space<hbm>>) target(%dma_start3A_44 : memref<8x100xf32, #tpu.memory_space<vmem>>) target_semaphore(%arg8 : memref<!tpu.dma_semaphore, #tpu.memory_space<semaphore_mem>>)
    tpu.enqueue_dma source(%arg3 : memref<30x64xi32, #tpu.memory_space<hbm>>) target(%arg6 : memref<30x64xi32, #tpu.memory_space<vmem>>) target_semaphore(%arg8 : memref<!tpu.dma_semaphore, #tpu.memory_space<semaphore_mem>>)
    %iota3A = tpu.iota {dimensions = array<i32: 0>} : vector<16xi32>
    %broadcast_in_dim3A = arith.constant 0.000000e+00 : f32
    %broadcast_in_dim3A_47 = vector.broadcast %broadcast_in_dim3A : f32 to vector<16xf32>
    %dma_wait3A = arith.constant 0 : i32
    %dma_wait3A_48 = arith.constant 0 : i32
    %dma_wait3A_49 = tpu.memref_slice %arg5[%dma_wait3A, %dma_wait3A_48] : memref<24x100xf32, #tpu.memory_space<vmem>> -> memref<8x100xf32, #tpu.memory_space<vmem>>
    %dma_wait3A_50 = arith.constant 0 : i32
    %dma_wait3A_51 = tpu.memref_slice %arg2[%add3A_5, %dma_wait3A_50] : memref<192x100xf32, #tpu.memory_space<hbm>> -> memref<8x100xf32, #tpu.memory_space<hbm>>
    %dma_wait3A_52 = arith.constant 0 : i32
    %dma_wait3A_53 = arith.constant 0 : i32
    %dma_wait3A_54 = tpu.memref_slice %arg5[%dma_wait3A_52, %dma_wait3A_53] : memref<24x100xf32, #tpu.memory_space<vmem>> -> memref<8x100xf32, #tpu.memory_space<vmem>>
    %dma_wait3A_55 = arith.constant 0 : i32
    %dma_wait3A_56 = tpu.memref_slice %arg2[%add3A_5, %dma_wait3A_55] : memref<192x100xf32, #tpu.memory_space<hbm>> -> memref<8x100xf32, #tpu.memory_space<hbm>>
    tpu.wait_dma2 semaphore(%arg8 : memref<!tpu.dma_semaphore, #tpu.memory_space<semaphore_mem>>) src(%dma_wait3A_56 : memref<8x100xf32, #tpu.memory_space<hbm>>) dst(%dma_wait3A_54 : memref<8x100xf32, #tpu.memory_space<vmem>>)
    %dma_wait3A_57 = arith.constant 8 : i32
    %dma_wait3A_58 = arith.constant 0 : i32
    %dma_wait3A_59 = tpu.memref_slice %arg5[%dma_wait3A_57, %dma_wait3A_58] : memref<24x100xf32, #tpu.memory_space<vmem>> -> memref<8x100xf32, #tpu.memory_space<vmem>>
    %dma_wait3A_60 = arith.constant 0 : i32
    %dma_wait3A_61 = tpu.memref_slice %arg2[%add3A_20, %dma_wait3A_60] : memref<192x100xf32, #tpu.memory_space<hbm>> -> memref<8x100xf32, #tpu.memory_space<hbm>>
    %dma_wait3A_62 = arith.constant 8 : i32
    %dma_wait3A_63 = arith.constant 0 : i32
    %dma_wait3A_64 = tpu.memref_slice %arg5[%dma_wait3A_62, %dma_wait3A_63] : memref<24x100xf32, #tpu.memory_space<vmem>> -> memref<8x100xf32, #tpu.memory_space<vmem>>
    %dma_wait3A_65 = arith.constant 0 : i32
    %dma_wait3A_66 = tpu.memref_slice %arg2[%add3A_20, %dma_wait3A_65] : memref<192x100xf32, #tpu.memory_space<hbm>> -> memref<8x100xf32, #tpu.memory_space<hbm>>
    tpu.wait_dma2 semaphore(%arg8 : memref<!tpu.dma_semaphore, #tpu.memory_space<semaphore_mem>>) src(%dma_wait3A_66 : memref<8x100xf32, #tpu.memory_space<hbm>>) dst(%dma_wait3A_64 : memref<8x100xf32, #tpu.memory_space<vmem>>)
    %dma_wait3A_67 = arith.constant 16 : i32
    %dma_wait3A_68 = arith.constant 0 : i32
    %dma_wait3A_69 = tpu.memref_slice %arg5[%dma_wait3A_67, %dma_wait3A_68] : memref<24x100xf32, #tpu.memory_space<vmem>> -> memref<8x100xf32, #tpu.memory_space<vmem>>
    %dma_wait3A_70 = arith.constant 0 : i32
    %dma_wait3A_71 = tpu.memref_slice %arg2[%add3A_36, %dma_wait3A_70] : memref<192x100xf32, #tpu.memory_space<hbm>> -> memref<8x100xf32, #tpu.memory_space<hbm>>
    %dma_wait3A_72 = arith.constant 16 : i32
    %dma_wait3A_73 = arith.constant 0 : i32
    %dma_wait3A_74 = tpu.memref_slice %arg5[%dma_wait3A_72, %dma_wait3A_73] : memref<24x100xf32, #tpu.memory_space<vmem>> -> memref<8x100xf32, #tpu.memory_space<vmem>>
    %dma_wait3A_75 = arith.constant 0 : i32
    %dma_wait3A_76 = tpu.memref_slice %arg2[%add3A_36, %dma_wait3A_75] : memref<192x100xf32, #tpu.memory_space<hbm>> -> memref<8x100xf32, #tpu.memory_space<hbm>>
    tpu.wait_dma2 semaphore(%arg8 : memref<!tpu.dma_semaphore, #tpu.memory_space<semaphore_mem>>) src(%dma_wait3A_76 : memref<8x100xf32, #tpu.memory_space<hbm>>) dst(%dma_wait3A_74 : memref<8x100xf32, #tpu.memory_space<vmem>>)
    tpu.wait_dma2 semaphore(%arg8 : memref<!tpu.dma_semaphore, #tpu.memory_space<semaphore_mem>>) src(%arg3 : memref<30x64xi32, #tpu.memory_space<hbm>>) dst(%arg6 : memref<30x64xi32, #tpu.memory_space<vmem>>)
    %scan3A = arith.constant 0 : i32
    %scan3A_77 = arith.constant 8 : i32
    %scan3A_78 = arith.addi %scan3A, %scan3A_77 : i32
    %scan3A_79 = arith.constant 1 : i32
    %scan3A_80 = scf.for %scan3A_92 = %scan3A to %scan3A_78 step %scan3A_79 iter_args(%scan3A_93 = %broadcast_in_dim3A_47) -> (vector<16xf32>)  : i32 {
      %mul3A_94 = arith.constant 16 : i32
      %mul3A_95 = arith.muli %scan3A_92, %mul3A_94 : i32
      %add3A_96 = vector.broadcast %mul3A_95 : i32 to vector<16xi32>
      %add3A_97 = arith.addi %add3A_96, %iota3A : vector<16xi32>
      %min3A = arith.constant 119 : i32
      %min3A_98 = vector.broadcast %min3A : i32 to vector<16xi32>
      %min3A_99 = arith.minsi %add3A_97, %min3A_98 : vector<16xi32>
      %jit3A_100 = arith.constant 30 : i32
      %div3A_101 = vector.broadcast %jit3A_100 : i32 to vector<16xi32>
      %div3A_102 = arith.divsi %min3A_99, %div3A_101 : vector<16xi32>
      %sign3A = arith.constant 0 : i32
      %sign3A_103 = vector.broadcast %sign3A : i32 to vector<16xi32>
      %sign3A_104 = arith.cmpi sgt, %min3A_99, %sign3A_103 : vector<16xi32>
      %sign3A_105 = arith.extui %sign3A_104 : vector<16xi1> to vector<16xi32>
      %sign3A_106 = arith.constant 0 : i32
      %sign3A_107 = vector.broadcast %sign3A_106 : i32 to vector<16xi32>
      %sign3A_108 = arith.cmpi slt, %min3A_99, %sign3A_107 : vector<16xi32>
      %sign3A_109 = arith.extui %sign3A_108 : vector<16xi1> to vector<16xi32>
      %sign3A_110 = arith.subi %sign3A_105, %sign3A_109 : vector<16xi32>
      %sign3A_111 = arith.constant 0 : i32
      %sign3A_112 = arith.cmpi sgt, %jit3A_100, %sign3A_111 : i32
      %sign3A_113 = arith.extui %sign3A_112 : i1 to i32
      %sign3A_114 = arith.constant 0 : i32
      %sign3A_115 = arith.cmpi slt, %jit3A_100, %sign3A_114 : i32
      %sign3A_116 = arith.extui %sign3A_115 : i1 to i32
      %sign3A_117 = arith.subi %sign3A_113, %sign3A_116 : i32
      %ne3A = vector.broadcast %sign3A_117 : i32 to vector<16xi32>
      %ne3A_118 = arith.cmpi ne, %sign3A_110, %ne3A : vector<16xi32>
      %rem3A = vector.broadcast %jit3A_100 : i32 to vector<16xi32>
      %rem3A_119 = arith.remsi %min3A_99, %rem3A : vector<16xi32>
      %ne3A_120 = arith.constant 0 : i32
      %ne3A_121 = vector.broadcast %ne3A_120 : i32 to vector<16xi32>
      %ne3A_122 = arith.cmpi ne, %rem3A_119, %ne3A_121 : vector<16xi32>
      %and3A_123 = arith.andi %ne3A_118, %ne3A_122 : vector<16xi1>
      %sub3A = arith.constant 1 : i32
      %sub3A_124 = vector.broadcast %sub3A : i32 to vector<16xi32>
      %sub3A_125 = arith.subi %div3A_102, %sub3A_124 : vector<16xi32>
      %select_n3A_126 = arith.select %and3A_123, %sub3A_125, %div3A_102 : vector<16xi1>, vector<16xi32>
      %mul3A_127 = arith.constant 30 : i32
      %mul3A_128 = vector.broadcast %mul3A_127 : i32 to vector<16xi32>
      %mul3A_129 = arith.muli %select_n3A_126, %mul3A_128 : vector<16xi32>
      %sub3A_130 = arith.subi %min3A_99, %mul3A_129 : vector<16xi32>
      %add3A_131 = vector.broadcast %mul3A_0 : i32 to vector<16xi32>
      %add3A_132 = arith.addi %add3A_131, %select_n3A_126 : vector<16xi32>
      %gather3A = tpu.vector_load_idx %arg6[%sub3A_130, %add3A_132] : memref<30x64xi32, #tpu.memory_space<vmem>>[vector<16xi32>, vector<16xi32>], vector<16xi32>,
      %mul3A_133 = arith.constant 8 : i32
      %mul3A_134 = vector.broadcast %mul3A_133 : i32 to vector<16xi32>
      %mul3A_135 = arith.muli %gather3A, %mul3A_134 : vector<16xi32>
      %add3A_136 = vector.broadcast %and3A_1 : i32 to vector<16xi32>
      %add3A_137 = arith.addi %mul3A_135, %add3A_136 : vector<16xi32>
      %add3A_138 = arith.addi %add3A_137, %select_n3A_126 : vector<16xi32>
      %gather3A_139 = tpu.vector_load_idx %arg5[%add3A_138, %sub3A_130] : memref<24x100xf32, #tpu.memory_space<vmem>>[vector<16xi32>, vector<16xi32>], vector<16xf32>,
      %abs3A = math.absf %gather3A_139 : vector<16xf32>
      %neg3A = arith.constant 0.000000e+00 : f32
      %neg3A_140 = vector.broadcast %neg3A : f32 to vector<16xf32>
      %neg3A_141 = arith.subf %neg3A_140, %abs3A : vector<16xf32>
      %exp3A = math.exp %neg3A_141 : vector<16xf32>
      %add3A_142 = arith.constant 1.000000e+00 : f32
      %add3A_143 = vector.broadcast %add3A_142 : f32 to vector<16xf32>
      %add3A_144 = arith.addf %add3A_143, %exp3A : vector<16xf32>
      %div3A_145 = arith.constant 1.000000e+00 : f32
      %div3A_146 = vector.broadcast %div3A_145 : f32 to vector<16xf32>
      %div3A_147 = arith.divf %div3A_146, %add3A_144 : vector<16xf32>
      %ge3A = arith.constant 0.000000e+00 : f32
      %ge3A_148 = vector.broadcast %ge3A : f32 to vector<16xf32>
      %ge3A_149 = arith.cmpf oge, %gather3A_139, %ge3A_148 : vector<16xf32>
      %sub3A_150 = arith.constant 1.000000e+00 : f32
      %sub3A_151 = vector.broadcast %sub3A_150 : f32 to vector<16xf32>
      %sub3A_152 = arith.subf %sub3A_151, %div3A_147 : vector<16xf32>
      %select_n3A_153 = arith.select %ge3A_149, %div3A_147, %sub3A_152 : vector<16xi1>, vector<16xf32>
      %max3A = arith.constant 0.000000e+00 : f32
      %max3A_154 = vector.broadcast %max3A : f32 to vector<16xf32>
      %max3A_155 = arith.maximumf %gather3A_139, %max3A_154 : vector<16xf32>
      %add3A_156 = arith.constant 2.000000e+00 : f32
      %add3A_157 = vector.broadcast %add3A_156 : f32 to vector<16xf32>
      %add3A_158 = arith.addf %add3A_157, %exp3A : vector<16xf32>
      %div3A_159 = arith.divf %exp3A, %add3A_158 : vector<16xf32>
      %mul3A_160 = arith.mulf %div3A_159, %div3A_159 : vector<16xf32>
      %mul3A_161 = arith.constant 0.111111112 : f32
      %mul3A_162 = vector.broadcast %mul3A_161 : f32 to vector<16xf32>
      %mul3A_163 = arith.mulf %mul3A_160, %mul3A_162 : vector<16xf32>
      %add3A_164 = arith.constant 0.142857149 : f32
      %add3A_165 = vector.broadcast %add3A_164 : f32 to vector<16xf32>
      %add3A_166 = arith.addf %add3A_165, %mul3A_163 : vector<16xf32>
      %mul3A_167 = arith.mulf %mul3A_160, %add3A_166 : vector<16xf32>
      %add3A_168 = arith.constant 2.000000e-01 : f32
      %add3A_169 = vector.broadcast %add3A_168 : f32 to vector<16xf32>
      %add3A_170 = arith.addf %add3A_169, %mul3A_167 : vector<16xf32>
      %mul3A_171 = arith.mulf %mul3A_160, %add3A_170 : vector<16xf32>
      %add3A_172 = arith.constant 0.333333343 : f32
      %add3A_173 = vector.broadcast %add3A_172 : f32 to vector<16xf32>
      %add3A_174 = arith.addf %add3A_173, %mul3A_171 : vector<16xf32>
      %mul3A_175 = arith.mulf %mul3A_160, %add3A_174 : vector<16xf32>
      %add3A_176 = arith.constant 1.000000e+00 : f32
      %add3A_177 = vector.broadcast %add3A_176 : f32 to vector<16xf32>
      %add3A_178 = arith.addf %add3A_177, %mul3A_175 : vector<16xf32>
      %mul3A_179 = arith.constant 2.000000e+00 : f32
      %mul3A_180 = vector.broadcast %mul3A_179 : f32 to vector<16xf32>
      %mul3A_181 = arith.mulf %mul3A_180, %div3A_159 : vector<16xf32>
      %mul3A_182 = arith.mulf %mul3A_181, %add3A_178 : vector<16xf32>
      %add3A_183 = arith.addf %max3A_155, %mul3A_182 : vector<16xf32>
      %mul3A_184 = arith.mulf %select_n3A_153, %select_n3A_153 : vector<16xf32>
      %mul3A_185 = arith.constant 7.500000e-01 : f32
      %mul3A_186 = vector.broadcast %mul3A_185 : f32 to vector<16xf32>
      %mul3A_187 = arith.mulf %mul3A_186, %mul3A_184 : vector<16xf32>
      %mul3A_188 = arith.mulf %mul3A_187, %add3A_183 : vector<16xf32>
      %sub3A_189 = arith.constant 1.000000e+00 : f32
      %sub3A_190 = vector.broadcast %sub3A_189 : f32 to vector<16xf32>
      %sub3A_191 = arith.subf %sub3A_190, %select_n3A_153 : vector<16xf32>
      %mul3A_192 = arith.mulf %sub3A_191, %sub3A_191 : vector<16xf32>
      %mul3A_193 = arith.constant 2.500000e-01 : f32
      %mul3A_194 = vector.broadcast %mul3A_193 : f32 to vector<16xf32>
      %mul3A_195 = arith.mulf %mul3A_194, %mul3A_192 : vector<16xf32>
      %sub3A_196 = arith.subf %add3A_183, %gather3A_139 : vector<16xf32>
      %mul3A_197 = arith.mulf %mul3A_195, %sub3A_196 : vector<16xf32>
      %lt3A = arith.constant 120 : i32
      %lt3A_198 = vector.broadcast %lt3A : i32 to vector<16xi32>
      %lt3A_199 = arith.cmpi slt, %add3A_97, %lt3A_198 : vector<16xi32>
      %sub3A_200 = arith.subf %mul3A_197, %mul3A_188 : vector<16xf32>
      %jit3A_201 = arith.constant 0.000000e+00 : f32
      %broadcast_in_dim3A_202 = vector.broadcast %jit3A_201 : f32 to vector<16xf32>
      %select_n3A_203 = arith.select %lt3A_199, %sub3A_200, %broadcast_in_dim3A_202 : vector<16xi1>, vector<16xf32>
      %add3A_204 = arith.addf %scan3A_93, %select_n3A_203 : vector<16xf32>
      scf.yield %add3A_204 : vector<16xf32>
    }
    %scan3A_81 = arith.constant 8 : i32
    %eq3A = arith.constant 0 : i32
    %eq3A_82 = vector.broadcast %eq3A : i32 to vector<16xi32>
    %eq3A_83 = arith.cmpi eq, %iota3A, %eq3A_82 : vector<16xi32>
    %reduce_sum3A = arith.constant true
    %reduce_sum3A_84 = vector.broadcast %reduce_sum3A : i1 to vector<16xi1>
    %reduce_sum3A_85 = tpu.scan <sum>, %scan3A_80 masked %reduce_sum3A_84 : vector<16xf32>, vector<16xi1> -> vector<16xf32>
    %reduce_sum3A_86 = vector.extract %reduce_sum3A_85[15] : f32 from vector<16xf32>
    %jit3A = arith.constant 0.000000e+00 : f32
    %broadcast_in_dim3A_87 = vector.broadcast %reduce_sum3A_86 : f32 to vector<16xf32>
    %broadcast_in_dim3A_88 = vector.broadcast %jit3A : f32 to vector<16xf32>
    %select_n3A = arith.select %eq3A_83, %broadcast_in_dim3A_87, %broadcast_in_dim3A_88 : vector<16xi1>, vector<16xf32>
    %div3A = arith.constant 1.920000e+03 : f32
    %div3A_89 = vector.broadcast %div3A : f32 to vector<16xf32>
    %div3A_90 = arith.divf %select_n3A, %div3A_89 : vector<16xf32>
    %swap3A = arith.constant 0 : index
    %swap3A_91 = tpu.vector_load %arg7[%swap3A] {strides = array<i32>} : memref<16xf32, #tpu.memory_space<vmem>>, vector<16xf32>,
    tpu.vector_store %arg7[%swap3A], %div3A_90 {strides = array<i32>} : memref<16xf32, #tpu.memory_space<vmem>>, vector<16xf32>,
    "tpu.region"() ({
      %run_scoped3A = tpu.sem_alloc : memref<!tpu.dma_semaphore, #tpu.memory_space<semaphore_mem>>
      %dma_start3A_92 = arith.constant 0 : i32
      %dma_start3A_93 = tpu.memref_slice %arg4[%arg1, %dma_start3A_92] : memref<16x16xf32, #tpu.memory_space<hbm>> -> memref<1x16xf32, #tpu.memory_space<hbm>>
      %dma_start3A_94 = tpu.memref_squeeze %dma_start3A_93 : memref<1x16xf32, #tpu.memory_space<hbm>> -> memref<16xf32, #tpu.memory_space<hbm>>
      %dma_start3A_95 = arith.constant 0 : i32
      %dma_start3A_96 = tpu.memref_slice %arg4[%arg1, %dma_start3A_95] : memref<16x16xf32, #tpu.memory_space<hbm>> -> memref<1x16xf32, #tpu.memory_space<hbm>>
      %dma_start3A_97 = tpu.memref_squeeze %dma_start3A_96 : memref<1x16xf32, #tpu.memory_space<hbm>> -> memref<16xf32, #tpu.memory_space<hbm>>
      tpu.enqueue_dma source(%arg7 : memref<16xf32, #tpu.memory_space<vmem>>) target(%dma_start3A_97 : memref<16xf32, #tpu.memory_space<hbm>>) target_semaphore(%run_scoped3A : memref<!tpu.dma_semaphore, #tpu.memory_space<semaphore_mem>>)
      %dma_wait3A_98 = arith.constant 0 : i32
      %dma_wait3A_99 = tpu.memref_slice %arg4[%arg1, %dma_wait3A_98] : memref<16x16xf32, #tpu.memory_space<hbm>> -> memref<1x16xf32, #tpu.memory_space<hbm>>
      %dma_wait3A_100 = tpu.memref_squeeze %dma_wait3A_99 : memref<1x16xf32, #tpu.memory_space<hbm>> -> memref<16xf32, #tpu.memory_space<hbm>>
      %dma_wait3A_101 = arith.constant 0 : i32
      %dma_wait3A_102 = tpu.memref_slice %arg4[%arg1, %dma_wait3A_101] : memref<16x16xf32, #tpu.memory_space<hbm>> -> memref<1x16xf32, #tpu.memory_space<hbm>>
      %dma_wait3A_103 = tpu.memref_squeeze %dma_wait3A_102 : memref<1x16xf32, #tpu.memory_space<hbm>> -> memref<16xf32, #tpu.memory_space<hbm>>
      tpu.wait_dma2 semaphore(%run_scoped3A : memref<!tpu.dma_semaphore, #tpu.memory_space<semaphore_mem>>) src(%arg7 : memref<16xf32, #tpu.memory_space<vmem>>) dst(%dma_wait3A_103 : memref<16xf32, #tpu.memory_space<hbm>>)
      tpu.yield
    }) : () -> ()
    return
  }
}

module attributes {stable_mosaic.version = 14 : i64} {
  func.func @_tc_body(%arg0: memref<192x100xf32, #tpu.memory_space<vmem>>, %arg1: memref<2560x100xf32, #tpu.memory_space<vmem>>, %arg2: memref<1200x64xf32, #tpu.memory_space<vmem>>, %arg3: memref<8x128xf32, #tpu.memory_space<vmem>>) attributes {dimension_semantics = [], scalar_prefetch = 0 : i64, scratch_operands = 0 : i64, tpu.core_type = #tpu.core_type<tc>} {
    %get3A = arith.constant 0 : index
    %get3A_0 = arith.constant 0 : index
    %get3A_1 = vector.load %arg0[%get3A, %get3A_0] : memref<192x100xf32, #tpu.memory_space<vmem>>, vector<192x100xf32>
    %abs3A = math.absf %get3A_1 : vector<192x100xf32>
    %neg3A = arith.constant 0.000000e+00 : f32
    %neg3A_2 = vector.broadcast %neg3A : f32 to vector<192x100xf32>
    %neg3A_3 = arith.subf %neg3A_2, %abs3A : vector<192x100xf32>
    %exp3A = math.exp %neg3A_3 : vector<192x100xf32>
    %add3A = arith.constant 1.000000e+00 : f32
    %add3A_4 = vector.broadcast %add3A : f32 to vector<192x100xf32>
    %add3A_5 = arith.addf %add3A_4, %exp3A : vector<192x100xf32>
    %div3A = arith.constant 1.000000e+00 : f32
    %div3A_6 = vector.broadcast %div3A : f32 to vector<192x100xf32>
    %div3A_7 = arith.divf %div3A_6, %add3A_5 : vector<192x100xf32>
    %ge3A = arith.constant 0.000000e+00 : f32
    %ge3A_8 = vector.broadcast %ge3A : f32 to vector<192x100xf32>
    %ge3A_9 = arith.cmpf oge, %get3A_1, %ge3A_8 : vector<192x100xf32>
    %sub3A = arith.constant 1.000000e+00 : f32
    %sub3A_10 = vector.broadcast %sub3A : f32 to vector<192x100xf32>
    %sub3A_11 = arith.subf %sub3A_10, %div3A_7 : vector<192x100xf32>
    %select_n3A = arith.select %ge3A_9, %div3A_7, %sub3A_11 : vector<192x100xi1>, vector<192x100xf32>
    %max3A = arith.constant 0.000000e+00 : f32
    %max3A_12 = vector.broadcast %max3A : f32 to vector<192x100xf32>
    %max3A_13 = arith.maximumf %get3A_1, %max3A_12 : vector<192x100xf32>
    %log1p3A = math.log1p %exp3A : vector<192x100xf32>
    %add3A_14 = arith.addf %max3A_13, %log1p3A : vector<192x100xf32>
    %mul3A = arith.mulf %select_n3A, %select_n3A : vector<192x100xf32>
    %mul3A_15 = arith.constant 7.500000e-01 : f32
    %mul3A_16 = vector.broadcast %mul3A_15 : f32 to vector<192x100xf32>
    %mul3A_17 = arith.mulf %mul3A_16, %mul3A : vector<192x100xf32>
    %mul3A_18 = arith.mulf %mul3A_17, %add3A_14 : vector<192x100xf32>
    %reduce_sum3A = vector.shape_cast %mul3A_18 : vector<192x100xf32> to vector<1x192x100xf32>
    %reduce_sum3A_19 = arith.constant dense<0.000000e+00> : vector<1xf32>
    %reduce_sum3A_20 = vector.multi_reduction <add>, %reduce_sum3A, %reduce_sum3A_19 [1, 2] : vector<1x192x100xf32> to vector<1xf32>
    %reduce_sum3A_21 = vector.shape_cast %reduce_sum3A_20 : vector<1xf32> to vector<1x1x1xf32>
    %reduce_sum3A_22 = vector.extract %reduce_sum3A_21[0, 0, 0] : f32 from vector<1x1x1xf32>
    %get3A_23 = arith.constant 0 : index
    %get3A_24 = arith.constant 0 : index
    %get3A_25 = vector.load %arg2[%get3A_23, %get3A_24] : memref<1200x64xf32, #tpu.memory_space<vmem>>, vector<1200x64xf32>
    %transpose3A = tpu.transpose %get3A_25, [1, 0] : vector<1200x64xf32> -> vector<64x1200xf32>
    %reshape3A = vector.shape_cast %transpose3A : vector<64x1200xf32> to vector<64x30x40xf32>
    %transpose3A_26 = tpu.transpose %reshape3A, [0, 2, 1] : vector<64x30x40xf32> -> vector<64x40x30xf32>
    %get3A_27 = arith.constant 0 : index
    %get3A_28 = arith.constant 0 : index
    %get3A_29 = vector.load %arg1[%get3A_27, %get3A_28] : memref<2560x100xf32, #tpu.memory_space<vmem>>, vector<2560x100xf32>
    %reshape3A_30 = vector.shape_cast %get3A_29 : vector<2560x100xf32> to vector<64x40x100xf32>
    %slice3A = vector.extract_strided_slice %reshape3A_30 {offsets = [0, 0, 0], sizes = [64, 40, 30], strides = [1, 1, 1]} : vector<64x40x100xf32> to vector<64x40x30xf32>
    %sub3A_31 = arith.subf %slice3A, %transpose3A_26 : vector<64x40x30xf32>
    %abs3A_32 = math.absf %sub3A_31 : vector<64x40x30xf32>
    %reduce_sum3A_33 = vector.shape_cast %abs3A_32 : vector<64x40x30xf32> to vector<1x64x40x30xf32>
    %reduce_sum3A_34 = arith.constant dense<0.000000e+00> : vector<1xf32>
    %reduce_sum3A_35 = vector.multi_reduction <add>, %reduce_sum3A_33, %reduce_sum3A_34 [1, 2, 3] : vector<1x64x40x30xf32> to vector<1xf32>
    %reduce_sum3A_36 = vector.shape_cast %reduce_sum3A_35 : vector<1xf32> to vector<1x1x1x1xf32>
    %reduce_sum3A_37 = vector.extract %reduce_sum3A_36[0, 0, 0, 0] : f32 from vector<1x1x1x1xf32>
    %slice3A_38 = vector.extract_strided_slice %slice3A {offsets = [0, 2, 0], sizes = [64, 38, 30], strides = [1, 1, 1]} : vector<64x40x30xf32> to vector<64x38x30xf32>
    %slice3A_39 = vector.extract_strided_slice %slice3A {offsets = [0, 0, 0], sizes = [64, 38, 30], strides = [1, 1, 1]} : vector<64x40x30xf32> to vector<64x38x30xf32>
    %sub3A_40 = arith.subf %slice3A_38, %slice3A_39 : vector<64x38x30xf32>
    %slice3A_41 = vector.extract_strided_slice %transpose3A_26 {offsets = [0, 2, 0], sizes = [64, 38, 30], strides = [1, 1, 1]} : vector<64x40x30xf32> to vector<64x38x30xf32>
    %slice3A_42 = vector.extract_strided_slice %transpose3A_26 {offsets = [0, 0, 0], sizes = [64, 38, 30], strides = [1, 1, 1]} : vector<64x40x30xf32> to vector<64x38x30xf32>
    %sub3A_43 = arith.subf %slice3A_41, %slice3A_42 : vector<64x38x30xf32>
    %mul3A_44 = arith.mulf %sub3A_40, %sub3A_43 : vector<64x38x30xf32>
    %mul3A_45 = arith.mulf %sub3A_40, %sub3A_40 : vector<64x38x30xf32>
    %mul3A_46 = arith.mulf %sub3A_43, %sub3A_43 : vector<64x38x30xf32>
    %slice3A_47 = vector.extract_strided_slice %mul3A_44 {offsets = [0, 0, 0], sizes = [64, 37, 30], strides = [1, 1, 1]} : vector<64x38x30xf32> to vector<64x37x30xf32>
    %slice3A_48 = vector.extract_strided_slice %mul3A_44 {offsets = [0, 1, 0], sizes = [64, 37, 30], strides = [1, 1, 1]} : vector<64x38x30xf32> to vector<64x37x30xf32>
    %add3A_49 = arith.addf %slice3A_47, %slice3A_48 : vector<64x37x30xf32>
    %slice3A_50 = vector.extract_strided_slice %mul3A_45 {offsets = [0, 0, 0], sizes = [64, 37, 30], strides = [1, 1, 1]} : vector<64x38x30xf32> to vector<64x37x30xf32>
    %slice3A_51 = vector.extract_strided_slice %mul3A_45 {offsets = [0, 1, 0], sizes = [64, 37, 30], strides = [1, 1, 1]} : vector<64x38x30xf32> to vector<64x37x30xf32>
    %add3A_52 = arith.addf %slice3A_50, %slice3A_51 : vector<64x37x30xf32>
    %slice3A_53 = vector.extract_strided_slice %mul3A_46 {offsets = [0, 0, 0], sizes = [64, 37, 30], strides = [1, 1, 1]} : vector<64x38x30xf32> to vector<64x37x30xf32>
    %slice3A_54 = vector.extract_strided_slice %mul3A_46 {offsets = [0, 1, 0], sizes = [64, 37, 30], strides = [1, 1, 1]} : vector<64x38x30xf32> to vector<64x37x30xf32>
    %add3A_55 = arith.addf %slice3A_53, %slice3A_54 : vector<64x37x30xf32>
    %mul3A_56 = arith.mulf %add3A_52, %add3A_55 : vector<64x37x30xf32>
    %max3A_57 = arith.constant 1.000000e-24 : f32
    %max3A_58 = vector.broadcast %max3A_57 : f32 to vector<64x37x30xf32>
    %max3A_59 = arith.maximumf %mul3A_56, %max3A_58 : vector<64x37x30xf32>
    %rsqrt3A = math.rsqrt %max3A_59 : vector<64x37x30xf32>
    %mul3A_60 = arith.mulf %add3A_49, %rsqrt3A : vector<64x37x30xf32>
    %iota3A = tpu.iota {dimensions = array<i32: 1>} : vector<64x37x30xi32>
    %jit3A = arith.constant 2 : i32
    %eq3A = arith.constant 0 : i32
    %eq3A_61 = arith.cmpi eq, %jit3A, %eq3A : i32
    %jit3A_62 = arith.constant 1 : i32
    %select_n3A_63 = arith.select %eq3A_61, %jit3A_62, %jit3A : i32
    %rem3A = vector.broadcast %select_n3A_63 : i32 to vector<64x37x30xi32>
    %rem3A_64 = arith.remsi %iota3A, %rem3A : vector<64x37x30xi32>
    %ne3A = arith.constant 0 : i32
    %ne3A_65 = vector.broadcast %ne3A : i32 to vector<64x37x30xi32>
    %ne3A_66 = arith.cmpi ne, %rem3A_64, %ne3A_65 : vector<64x37x30xi32>
    %lt3A = arith.constant 0 : i32
    %lt3A_67 = vector.broadcast %lt3A : i32 to vector<64x37x30xi32>
    %lt3A_68 = arith.cmpi slt, %rem3A_64, %lt3A_67 : vector<64x37x30xi32>
    %lt3A_69 = arith.constant 0 : i32
    %lt3A_70 = arith.cmpi slt, %select_n3A_63, %lt3A_69 : i32
    %ne3A_71 = vector.broadcast %lt3A_70 : i1 to vector<64x37x30xi1>
    %ne3A_72 = vector.broadcast %ne3A_71 : vector<64x37x30xi1> to vector<64x37x30xi1>
    %ne3A_73 = arith.xori %lt3A_68, %ne3A_72 : vector<64x37x30xi1>
    %and3A = arith.andi %ne3A_73, %ne3A_66 : vector<64x37x30xi1>
    %add3A_74 = vector.broadcast %select_n3A_63 : i32 to vector<64x37x30xi32>
    %add3A_75 = arith.addi %rem3A_64, %add3A_74 : vector<64x37x30xi32>
    %select_n3A_76 = arith.select %and3A, %add3A_75, %rem3A_64 : vector<64x37x30xi1>, vector<64x37x30xi32>
    %eq3A_77 = arith.constant 0 : i32
    %eq3A_78 = vector.broadcast %eq3A_77 : i32 to vector<64x37x30xi32>
    %eq3A_79 = arith.cmpi eq, %select_n3A_76, %eq3A_78 : vector<64x37x30xi32>
    %sub3A_80 = arith.constant 1.000000e+00 : f32
    %sub3A_81 = vector.broadcast %sub3A_80 : f32 to vector<64x37x30xf32>
    %sub3A_82 = arith.subf %sub3A_81, %mul3A_60 : vector<64x37x30xf32>
    %jit3A_83 = arith.constant 0.000000e+00 : f32
    %broadcast_in_dim3A = vector.broadcast %jit3A_83 : f32 to vector<64x37x30xf32>
    %select_n3A_84 = arith.select %eq3A_79, %sub3A_82, %broadcast_in_dim3A : vector<64x37x30xi1>, vector<64x37x30xf32>
    %reduce_sum3A_85 = vector.shape_cast %select_n3A_84 : vector<64x37x30xf32> to vector<1x64x37x30xf32>
    %reduce_sum3A_86 = arith.constant dense<0.000000e+00> : vector<1xf32>
    %reduce_sum3A_87 = vector.multi_reduction <add>, %reduce_sum3A_85, %reduce_sum3A_86 [1, 2, 3] : vector<1x64x37x30xf32> to vector<1xf32>
    %reduce_sum3A_88 = vector.shape_cast %reduce_sum3A_87 : vector<1xf32> to vector<1x1x1x1xf32>
    %reduce_sum3A_89 = vector.extract %reduce_sum3A_88[0, 0, 0, 0] : f32 from vector<1x1x1x1xf32>
    %iota3A_90 = tpu.iota {dimensions = array<i32: 1>} : vector<8x128xi32>
    %eq3A_91 = arith.constant 0 : i32
    %eq3A_92 = vector.broadcast %eq3A_91 : i32 to vector<8x128xi32>
    %eq3A_93 = arith.cmpi eq, %iota3A_90, %eq3A_92 : vector<8x128xi32>
    %eq3A_94 = arith.constant 1 : i32
    %eq3A_95 = vector.broadcast %eq3A_94 : i32 to vector<8x128xi32>
    %eq3A_96 = arith.cmpi eq, %iota3A_90, %eq3A_95 : vector<8x128xi32>
    %eq3A_97 = arith.constant 2 : i32
    %eq3A_98 = vector.broadcast %eq3A_97 : i32 to vector<8x128xi32>
    %eq3A_99 = arith.cmpi eq, %iota3A_90, %eq3A_98 : vector<8x128xi32>
    %jit3A_100 = arith.constant 0.000000e+00 : f32
    %broadcast_in_dim3A_101 = vector.broadcast %reduce_sum3A_89 : f32 to vector<8x128xf32>
    %broadcast_in_dim3A_102 = vector.broadcast %jit3A_100 : f32 to vector<8x128xf32>
    %select_n3A_103 = arith.select %eq3A_99, %broadcast_in_dim3A_101, %broadcast_in_dim3A_102 : vector<8x128xi1>, vector<8x128xf32>
    %broadcast_in_dim3A_104 = vector.broadcast %reduce_sum3A_37 : f32 to vector<8x128xf32>
    %select_n3A_105 = arith.select %eq3A_96, %broadcast_in_dim3A_104, %select_n3A_103 : vector<8x128xi1>, vector<8x128xf32>
    %broadcast_in_dim3A_106 = vector.broadcast %reduce_sum3A_22 : f32 to vector<8x128xf32>
    %select_n3A_107 = arith.select %eq3A_93, %broadcast_in_dim3A_106, %select_n3A_105 : vector<8x128xi1>, vector<8x128xf32>
    %div3A_108 = arith.constant 1.920000e+03 : f32
    %div3A_109 = vector.broadcast %div3A_108 : f32 to vector<8x128xf32>
    %div3A_110 = arith.divf %select_n3A_107, %div3A_109 : vector<8x128xf32>
    %swap3A = arith.constant 0 : index
    %swap3A_111 = arith.constant 0 : index
    %swap3A_112 = vector.load %arg3[%swap3A, %swap3A_111] : memref<8x128xf32, #tpu.memory_space<vmem>>, vector<8x128xf32>
    tpu.vector_store %arg3[%swap3A, %swap3A_111], %div3A_110 {strides = array<i32>} : memref<8x128xf32, #tpu.memory_space<vmem>>, vector<8x128xf32>,
    return
  }
}

</mosaic_0001>

<sc_bundles>
// kernel: kernel.4.cloned.1.call-start
scs
__scs_entry_jumppad:
0x0: {  	(pc) =	sbr.rel $0x88, $3  }
0x1: {  	(tag) =	ssettag $0x0;
	lr =	simm.s32 $0x1  }
0x2: {  	[smem:$0x3F9D] =	sst lr;
	_ =	strace $0xD0000000  }
0x3: {  	_ = 	snop  }
0x4: {  	_ = 	snop  }
0x5: {  	_ = 	snop  }
0x6: {  	_ = 	snop  }
0x7: {  	_ = 	snop  }
__scs_overlays_trampoline_lowered:
0x8: {  	[smem:$0x3FAC] =	sst s0  }
0x9: {  	[smem:$0x3FAD] =	sst s1  }
0xa: {  	[smem:$0x3FAE] =	sst s2  }
0xb: {  	[smem:$0x3FAF] =	sst s3  }
0xc: {  	[smem:$0x3FB0] =	sst s4  }
0xd: {  	[smem:$0x3FB1] =	sst s5  }
0xe: {  	[smem:$0x3FB2] =	sst s6  }
0xf: {  	[smem:$0x3FB3] =	sst s7  }
0x10: {  	[smem:$0x3FB4] =	sst s8  }
0x11: {  	[smem:$0x3FB5] =	sst s9;
	s0 =	simm.s32 @!p0 $0x0  }
0x12: {  	s1 =	sld [smem:$0x3F9B];
	s0 =	simm.s32 @p0 $0x1  }
0x13: {  	[smem:$0x3FB6] =	sst s0;
	s0 =	simm.s32 @!p1 $0x0  }
0x14: {  	s2 =	sld [smem:$0x3F9A];
	s0 =	simm.s32 @p1 $0x1  }
0x15: {  	[smem:$0x3FB7] =	sst s0;
	s0 =	simm.s32 @!p2 $0x0  }
0x16: {  	s3 =	sld [smem:$0x3FDB];
	s0 =	simm.s32 @p2 $0x1  }
0x17: {  	s4 =	simm.s32 $0x1BF5;
	[smem:$0x3FB9] =	sst s0  }
0x18: {  	s0 =	sld [smem:$0x3F9C];
	_ =	swait.ge [sflag:s4], $0x0  }
0x19: {  	s7 =	sld [smem:$0x3F9D]  }
0x1a: {  	s8 =	sadd.s32 $0xFFFFE003, lr  }
0x1b: {  	s9 =	sadd.s32 $0xFFFFFEF7, lr;
	s5 =	simm.s32 $0xFFFFFFFF;
	p2 =	slt.u32 s8, $0xFFFFF086  }
0x1c: {  	p1 =	slt.u32 s9, $0xF7A;
	s5 =	simm.s32 @!p2 $0x0  }
0x1d: {  	s5 =	simm.s32 @p1 $0x1;
	p0 =	seq.s32 s7, s2  }
0x1e: {  	s7 =	smul.u32 @!p0 $0xF7A, s2;
	p2 =	seq.s32 @!p0 s5, $0x0  }
0x1f: {  	s9 =	smul.u32 $0xF7A, s1;
	s8 =	simm.s32 @!p0 $0x1BF5;
	p2 =	por !p2, p0  }
0x20: {  	[sflag:s8] =	ssyncset.s32 @!p0 $0xFFFFF086;
	s6 =	sadd.s32 @!p0 s3, s7;
	s7 =	simm.s32 @!p0 $0x108  }
0x21: {  	s3 =	sadd.s32 s3, s9;
	s6 =	sadd.s32 @!p0 $0x88, s6;
	s7 =	simm.s32 @p2 $0x1082  }
0x22: {  	[simem:s7], [sflag:s8] =	dma.local @!p0 [hbm:s6], $0xF7A  }
0x23: {  	s9 =	sor.u32 $0xD0000000, s2;
	s6 =	simm.s32 $0x108;
	_ =	swait.ge @!p0 [sflag:s8], $0x0  }
0x24: {  	s3 =	sadd.s32 $0x88, s3;
	s6 =	simm.s32 @!p1 $0x1082;
	[sflag:s4] =	ssyncset.s32 $0xFFFFF086  }
0x25: {  	[simem:s6], [sflag:s4] =	dma.local [hbm:s3], $0xF7A  }
0x26: {  	[smem:$0x3F9D] =	sst s1;
	(tag) =	ssettag s2;
	_ =	strace s9  }
0x27: {  	s1 =	sld [smem:$0x3FAD]  }
0x28: {  	s2 =	sld [smem:$0x3FAE]  }
0x29: {  	s4 =	sld [smem:$0x3FB0]  }
0x2a: {  	p0 =	seq.s32 s5, $0x0;
	s5 =	sld [smem:$0x3FB1]  }
0x2b: {  	s6 =	sld [smem:$0x3FB2]  }
0x2c: {  	s7 =	sld [smem:$0x3FB3]  }
0x2d: {  	s3 =	simm.s32 $0x108;
	s8 =	sld [smem:$0x3FB4]  }
0x2e: {  	s3 =	simm.s32 @!p0 $0x1082;
	s9 =	sld [smem:$0x3FB5]  }
0x2f: {  	lr =	sadd.s32 s0, s3;
	s0 =	sld [smem:$0x3FAC]  }
0x30: {  	s3 =	sld [smem:$0x3FAF]  }
0x31: {  	[smem:$0x3FB8] =	sst s10  }
0x32: {  	s10 =	sld [smem:$0x3FB6];
	_ =	sdelay $0x3  }
0x33: {  	p0 =	seq.s32 s10, $0x1;
	s10 =	sld [smem:$0x3FB8];
	_ =	sdelay $0x3  }
0x34: {  	[smem:$0x3FB8] =	sst s10  }
0x35: {  	s10 =	sld [smem:$0x3FB7];
	_ =	sdelay $0x3  }
0x36: {  	p1 =	seq.s32 s10, $0x1;
	s10 =	sld [smem:$0x3FB8];
	_ =	sdelay $0x3  }
0x37: {  	[smem:$0x3FB8] =	sst s10  }
0x38: {  	s10 =	sld [smem:$0x3FB9]  }
0x39: {  	_ = 	snop;
	(pc) =	sbr.ind lr, $3  }
0x3a: {  	_ = 	snop  }
0x3b: {  	_ = 	snop  }
0x3c: {  	p2 =	seq.s32 s10, $0x1;
	s10 =	sld [smem:$0x3FB8]  }
0x3d: {  	_ =	shalt  }
0x3e: {  	_ =	shalt  }
0x3f: {  	_ =	shalt  }
0x40: {  	_ =	shalt  }
0x41: {  	_ =	shalt  }
0x42: {  	_ =	shalt  }
0x43: {  	_ =	shalt  }
0x44: {  	_ =	shalt  }
0x45: {  	_ =	shalt  }
0x46: {  	_ =	shalt  }
0x47: {  	_ =	shalt  }
0x48: {  	_ =	shalt  }
0x49: {  	_ =	shalt  }
0x4a: {  	_ =	shalt  }
0x4b: {  	_ =	shalt  }
0x4c: {  	_ =	shalt  }
0x4d: {  	_ =	shalt  }
0x4e: {  	_ =	shalt  }
0x4f: {  	_ =	shalt  }
0x50: {  	_ =	shalt  }
0x51: {  	_ =	shalt  }
0x52: {  	_ =	shalt  }
0x53: {  	_ =	shalt  }
0x54: {  	_ =	shalt  }
0x55: {  	_ =	shalt  }
0x56: {  	_ =	shalt  }
0x57: {  	_ =	shalt  }
0x58: {  	_ =	shalt  }
0x59: {  	_ =	shalt  }
0x5a: {  	_ =	shalt  }
0x5b: {  	_ =	shalt  }
0x5c: {  	_ =	shalt  }
0x5d: {  	_ =	shalt  }
0x5e: {  	_ =	shalt  }
0x5f: {  	_ =	shalt  }
0x60: {  	_ =	shalt  }
0x61: {  	_ =	shalt  }
0x62: {  	_ =	shalt  }
0x63: {  	_ =	shalt  }
0x64: {  	_ =	shalt  }
0x65: {  	_ =	shalt  }
0x66: {  	_ =	shalt  }
0x67: {  	_ =	shalt  }
0x68: {  	_ =	shalt  }
0x69: {  	_ =	shalt  }
0x6a: {  	_ =	shalt  }
0x6b: {  	_ =	shalt  }
0x6c: {  	_ =	shalt  }
0x6d: {  	_ =	shalt  }
0x6e: {  	_ =	shalt  }
0x6f: {  	_ =	shalt  }
0x70: {  	_ =	shalt  }
0x71: {  	_ =	shalt  }
0x72: {  	_ =	shalt  }
0x73: {  	_ =	shalt  }
0x74: {  	_ =	shalt  }
0x75: {  	_ =	shalt  }
0x76: {  	_ =	shalt  }
0x77: {  	_ =	shalt  }
0x78: {  	_ =	shalt  }
0x79: {  	_ =	shalt  }
0x7a: {  	_ =	shalt  }
0x7b: {  	_ =	shalt  }
0x7c: {  	_ =	shalt  }
0x7d: {  	_ =	shalt  }
0x7e: {  	_ =	shalt  }
0x7f: {  	_ =	shalt  }
0x80: {  	_ =	shalt  }
0x81: {  	_ =	shalt  }
0x82: {  	_ =	shalt  }
0x83: {  	_ =	shalt  }
0x84: {  	_ =	shalt  }
0x85: {  	_ =	shalt  }
0x86: {  	_ =	shalt  }
0x87: {  	_ =	shalt  }
.Lfunc_end0:
.L_simem_size_0:
called_computation_lowered:
.L_overlay_start_0:
0x88: {  	s0 =	sld [smem:$0x3FD9]  }
0x89: {  	s1 =	sld [smem:$0x3FFE];
	_ =	sdelay $0x3  }
0x8a: {  	s0 =	sadd.s32 s1, s0  }
0x8b: {  	[smem:$0x3FC4] =	sst s0  }
0x8c: {  	_ = 	snop  }
0x8d: {  	s0 =	sld [smem:$0x3FC9]  }
0x8e: {  	s16 =	sld [smem:$0x3FC7];
	(tm) =	ssettm $0x1  }
0x8f: {  	s2 =	sld [smem:$0x3FFB];
	_ =	sdelay $0x3  }
0x90: {  	_ =	strace s2  }
0x91: {  	s2 =	sld [smem:$0x3FFC];
	_ =	sdelay $0x3  }
0x92: {  	_ =	strace s2  }
0x93: {  	s2 =	sld [smem:$0x3FFD];
	_ =	sdelay $0x3  }
0x94: {  	_ =	strace s2  }
0x95: {  	_ =	strace $0x8FFFFFFF  }
0x96: {  	s17 =	sld [smem:$0x3FDB];
	_ =	sdelay $0x1  }
0x97: {  	s3 =	simm.s32 $_scs_section_size  }
0x98: {  	s4 =	simm.s32 $_size__tile_overlayer_lowered;
	s5 =	simm.s32 $_tile_overlayer_lowered  }
0x99: {  	s20 =	simm.s32 $0x1BFF;
	s19 =	sshll.u32 s5, $0x1;
	s2 =	sadd.s32 s3, s17  }
0x9a: {  	s6 =	simm.s32 $0x0;
	s18 =	sshll.u32 s4, $0x1;
	s4 =	sadd.s32 s19, s2  }
0x9b: {  	[timem:s6], [sflag:s20] =	dma.local [hbm:s4], s18  }
0x9c: {  	_ =	swait.ge [sflag:s20], s18  }
0x9d: {  	s3 =	ssub.s32 $0x0, s18;
	[sflag:s20] =	ssyncset.done $0x0  }
0x9e: {  	[sflag:s20] =	ssyncadd.s32 s3;
	_ =	sdelay $0x1  }
0x9f: {  	s21 =	simm.s32 $0x1B8B  }
0xa0: {  	_ =	swait.ge [sflag:s21], $0x1  }
0xa1: {  	[sflag:s21] =	ssyncset.done $0x0  }
0xa2: {  	s23 =	simm.s32 $0x1B8E;
	s22 =	sld [smem:$0x3FFE];
	[sflag:s21] =	ssyncadd.s32 $0xFFFFFFFF  }
0xa3: {  	s24 =	simm.s32 $execute0_lowered;
	[smem:$0x3FD2] =	sst s23  }
0xa4: {  	s4 =	sshll.u32 s24, $0x1;
	_ =	strace $0x80000046;
	[dreg:$0x1] =	wrdreg $0xFFFFFFFF  }
0xa5: {  	s25 =	simm.s32 $_size_execute0_lowered;
	s2 =	sadd.s32 s2, s4;
	[dreg:$0x0] =	wrdreg $0x0  }
0xa6: {  	s4 =	sshll.u32 s25, $0x1;
	[dreg:$0x2] =	wrdreg s2  }
0xa7: {  	[dreg:$0x3] =	wrdreg s4  }
0xa8: {  	[dreg:$0x4] =	wrdreg $0xC0  }
0xa9: {  	_ =	task [dreg:s6], $0x5FFFF  }
0xaa: {  	[dreg:$0x1] =	wrdreg $0xFFFFFFFF  }
0xab: {  	[dreg:$0x0] =	wrdreg $0x60  }
0xac: {  	[dreg:$0x2] =	wrdreg s0  }
0xad: {  	[dreg:$0x3] =	wrdreg s16  }
0xae: {  	[dreg:$0x4] =	wrdreg s22  }
0xaf: {  	[dreg:$0x5] =	wrdreg $0x9  }
0xb0: {  	_ =	task.clear_ibuf [dreg:s6], $0x6FFFF;
	_ =	strace $0x90000046  }
0xb1: {  	s26 =	simm.s32 $0x9;
	_ =	strace $0x80000048  }
0xb2: {  	_ =	swait.ge [sflag:s26], $0x1  }
0xb3: {  	[sflag:s26] =	ssyncadd.s32 $0xFFFFFFFF  }
0xb4: {  	_ =	strace $0x90000048  }
0xb5: {  	_ =	sfence  }
0xb6: {  	s28 =	sld [smem:$0x0];
	_ =	sdelay $0x1  }
0xb7: {  	s29 =	srdreg.scid  }
0xb8: {  	s30 =	sshll.u32 s29, $0xD;
	s31 =	sshrl.u32 s29, $0x2  }
0xb9: {  	s1 =	sand.u32 $0x1, s29;
	s2 =	sand.u32 $0x4000, s30;
	s0 =	sadd.s32 s31, s28  }
0xba: {  	s1 =	sor.u32 s2, s1;
	s0 =	sshll.u32 s0, $0x11  }
0xbb: {  	s0 =	sor.u32 s0, s1  }
0xbc: {  	s0 =	sadd.s32 $0x8F2B, s0  }
0xbd: {  	[sflag:s0] =	ssyncadd.remote.s32 $0x1  }
0xbe: {  	_ =	sfence.sel $0xFFFF  }
0xbf: {  	[dreg:$0x0] =	wrdreg $0xFFFFFFFF;
	(pc) =	sbr.abs _section_cstart, $3  }
0xc0: {  	[dreg:$0x1] =	wrdreg $0xFFFFFFFF  }
0xc1: {  	_ =	task.clear_ibuf [dreg:s6], $0x2FFFF;
	_ =	strace $0x9FFFFFFF  }
0xc2: {  	(tm) =	ssettm $0x7FFFFFFF  }
0xc3: {  	_ =	shalt  }
tec
execute0_lowered:
.L_overlay_start_1:
0x0: {  	(tag) =	ssettag $0x1  }
0x1: {  	s3 =	rddreg [dreg:$0x0]  }
0x2: {  	s5 =	rddreg [dreg:$0x1];
	s1 =	stileid.u32;
	s2 =	simm.s32 $0x0;
	v4 =	vlaneseq.u32  }
0x3: {  	s4 =	rddreg [dreg:$0x2];
	s6 =	sshll.u32 s1, $0x6;
	v0 =	vor.u32 s2, v4  }
0x4: {  	[smem:$0x7FF] =	sst s2;
	s6 =	sand.u32 $0x380, s6;
	vm0 =	vlt.s32 v0, $0x77  }
0x5: {  	s0 =	rddreg [dreg:$0x3];
	_ =	strace $0x80000047;
	s3 =	sadd.s32 s3, s6;
	v1 =	vnsel vm0, $0x77, v0  }
0x6: {  	[tilespmem:s2], [sflag:$0x1] =	stream.linear.gather [hbm4b:s3+s2], $0x400, $0x38;
	v2 =	vmulhi.u32 $0x88888889, v1;
	[tilespmem:$0x1C80] =	vst v63  }
0x7: {  	s7 =	simm.s32 $0x400;
	s6 =	sadd.s32 $0x400, s3  }
0x8: {  	[tilespmem:s7], [sflag:$0x1] =	stream.linear.gather [hbm4b:s6+s2], $0x400, $0x38;
	v2 =	vshrl.u32 v2, $0x4;
	[tilespmem:$0x1C80] =	vst v63  }
0x9: {  	s23 =	simm.s32 $0x800;
	s3 =	sadd.s32 $0x800, s3;
	v3 =	vmul.u32 $0xFFFFFFE2, v2  }
0xa: {  	v5 =	vmov s2;
	v6 =	vsub.s32 $0x0, v1;
	[tilespmem:s23], [sflag:$0x1] =	stream.linear.gather [hbm4b:s3+s2], $0x400, $0x38;
	[tilespmem:$0x1C80] =	vst v63  }
0xb: {  	s24 =	simm.s32 $0x1;
	vm14 =	veq.s32 v5, v4;
	s3 =	simm.s32 $0xC00;
	vm1 =	vne.s32 v3, v6  }
0xc: {  	v5 =	vimm.s32 $0x0;
	[tilespmem:s3], [sflag:$0x1] =	stream.linear.gather [hbm4b:s5+s2], $0xF00, $0x38;
	vm0 =	vmand vm14, vm1;
	[tilespmem:$0x1C80] =	vst v63  }
0xd: {  	_ =	swait.ge [sflag:s24], $0x400;
	v3 =	vsel vm0, $0xFFFFFFFF, v5  }
0xe: {  	[sflag:s24] =	ssyncset.done $0x0;
	v2 =	vadd.s32 v3, v2  }
0xf: {  	s25 =	sshll.u32 s1, $0x2;
	[sflag:s24] =	ssyncadd.s32 $0xFFFFFC00;
	v3 =	vmul.u32 $0xFFFFFFE2, v2  }
0x10: {  	v6 =	vmov s25;
	_ =	swait.ge [sflag:s24], $0x400  }
0x11: {  	v7 =	vadd.s32 v6, v2;
	[sflag:s24] =	ssyncset.done $0x0;
	v3 =	vadd.s32 v1, v3  }
0x12: {  	v1 =	vand.u32 $0xFFFFFF80, v7;
	[sflag:s24] =	ssyncadd.s32 $0xFFFFFC00;
	v8 =	vshll.u32 v3, $0x7  }
0x13: {  	v7 =	vand.u32 $0x7F, v7;
	_ =	swait.ge [sflag:s24], $0x400;
	v1 =	vadd.s32 v1, v8  }
0x14: {  	[sflag:s24] =	ssyncset.done $0x0;
	v7 =	vor.u32 v7, v1  }
0x15: {  	s26 =	simm.s32 $0x10;
	[sflag:s24] =	ssyncadd.s32 $0xFFFFFC00  }
0x16: {  	v1 =	vor.u32 s26, v4;
	_ =	swait.ge [sflag:s24], $0xF00  }
0x17: {  	vm15 =	vlt.s32 v1, $0x77;
	[sflag:s24] =	ssyncset.done $0x0  }
0x18: {  	v9 =	vnsel vm15, $0x77, v1;
	[sflag:s24] =	ssyncadd.s32 $0xFFFFF100  }
0x19: {  	v8 =	vmulhi.u32 $0x88888889, v9;
	v7 =	vld.idx.msk [tilespmem:v7+s3+$0x0], $0xffff;
	_ =	sdelay $0x1  }
0x1a: {  	s28 =	sand.u32 $0x4, s25;
	v10 =	vshrl.u32 v8, $0x4  }
0x1b: {  	v11 =	vmov s26;
	v8 =	vmov s28;
	v12 =	vmul.u32 $0xFFFFFFE2, v10  }
0x1c: {  	vm4 =	veq.s32 v11, v4;
	v11 =	vsub.s32 $0x0, v9;
	v2 =	vadd.s32 v8, v2  }
0x1d: {  	v2 =	vshll.u32 v2, $0x7;
	vm5 =	vne.s32 v12, v11;
	v7 =	vshll.u32 v7, $0xA  }
0x1e: {  	v11 =	vand.u32 $0xFFFFFF80, v3;
	vm0 =	vmand vm4, vm5;
	v2 =	vadd.s32 v2, v7  }
0x1f: {  	v3 =	vand.u32 $0x7F, v3;
	v7 =	vsel vm0, $0xFFFFFFFF, v5;
	v2 =	vadd.s32 v11, v2  }
0x20: {  	v7 =	vadd.s32 v7, v10;
	v2 =	vor.u32 v3, v2  }
0x21: {  	v3 =	vmul.u32 $0xFFFFFFE2, v7;
	_ =	sdelay $0x1  }
0x22: {  	v10 =	vadd.s32 v6, v7;
	v9 =	vadd.s32 v9, v3  }
0x23: {  	v3 =	vand.u32 $0xFFFFFF80, v10;
	v11 =	vshll.u32 v9, $0x7  }
0x24: {  	v3 =	vadd.s32 v3, v11;
	v16 =	vld.idx.msk [tilespmem:v2+s2+$0x0], $0xffff;
	v2 =	vand.u32 $0x7F, v10  }
0x25: {  	v2 =	vor.u32 v2, v3;
	_ =	sdelay $0x2  }
0x26: {  	s29 =	simm.s32 $0x20  }
0x27: {  	v3 =	vor.u32 s29, v4;
	v10 =	vand.u32 $0x7FFFFFFF, v16  }
0x28: {  	vm6 =	vlt.s32 v3, $0x77;
	v2 =	vld.idx.msk [tilespmem:v2+s3+$0x0], $0xffff;
	v10 =	vsub.f32 $0.0e+00, v10  }
0x29: {  	v11 =	vnsel vm6, $0x77, v3  }
0x2a: {  	v12 =	vmulhi.u32 $0x88888889, v11;
	v10 =	vmul.f32 $1.442695020e+00, v10  }
0x2b: {  	v14 =	vmov s29;
	v7 =	vadd.s32 v8, v7  }
0x2c: {  	v7 =	vshll.u32 v7, $0x7;
	(erf) = vpow2.f32 v10;
	v10 =	vshrl.u32 v12, $0x4  }
0x2d: {  	v13 =	vand.u32 $0x7F, v9;
	v12 =	vmul.u32 $0xFFFFFFE2, v10;
	v2 =	vshll.u32 v2, $0xA  }
0x2e: {  	v9 =	vand.u32 $0xFFFFFF80, v9;
	v15 =	vsub.s32 $0x0, v11;
	v2 =	vadd.s32 v7, v2  }
0x2f: {  	vm7 =	veq.s32 v14, v4;
	vm8 =	vne.s32 v12, v15;
	v2 =	vadd.s32 v9, v2  }
0x30: {  	vm0 =	vmand vm7, vm8;
	v2 =	vor.u32 v13, v2  }
0x31: {  	v7 =	vsel vm0, $0xFFFFFFFF, v5  }
0x32: {  	v9 =	vadd.s32 v7, v10  }
0x33: {  	v7 =	vmul.u32 $0xFFFFFFE2, v9;
	_ =	sdelay $0x1  }
0x34: {  	v10 =	vadd.s32 v6, v9;
	v12 =	vpop (erf);
	v11 =	vadd.s32 v11, v7;
	v7 =	vld.idx.msk [tilespmem:v2+s2+$0x0], $0xffff  }
0x35: {  	v13 =	vand.u32 $0xFFFFFF80, v10;
	v2 =	vadd.f32 $2.000000000e+00, v12;
	v14 =	vshll.u32 v11, $0x7  }
0x36: {  	v10 =	vand.u32 $0x7F, v10;
	v13 =	vadd.s32 v13, v14  }
0x37: {  	(erf) = vrcp.f32 v2;
	v10 =	vor.u32 v10, v13  }
0x38: {  	s30 =	simm.s32 $0x30  }
0x39: {  	v14 =	vadd.f32 $1.000000000e+00, v12;
	v2 =	vor.u32 s30, v4;
	v13 =	vand.u32 $0x7FFFFFFF, v7  }
0x3a: {  	vm9 =	vlt.s32 v2, $0x77;
	v13 =	vsub.f32 $0.0e+00, v13  }
0x3b: {  	(erf) = vrcp.f32 v14;
	v15 =	vnsel vm9, $0x77, v2  }
0x3c: {  	v14 =	vmulhi.u32 $0x88888889, v15;
	v10 =	vld.idx.msk [tilespmem:v10+s3+$0x0], $0xffff;
	v13 =	vmul.f32 $1.442695020e+00, v13;
	_ =	sdelay $0x1  }
0x3d: {  	(erf) = vpow2.f32 v13;
	v13 =	vshrl.u32 v14, $0x4  }
0x3e: {  	v17 =	vmov s30;
	v9 =	vadd.s32 v8, v9;
	v18 =	vmul.u32 $0xFFFFFFE2, v13  }
0x3f: {  	vm10 =	veq.s32 v17, v4;
	v9 =	vshll.u32 v9, $0x7;
	v17 =	vsub.s32 $0x0, v15;
	v14 =	vpop (erf)  }
0x40: {  	v10 =	vshll.u32 v10, $0xA;
	v12 =	vmul.f32 v14, v12;
	vm11 =	vne.s32 v18, v17  }
0x41: {  	v14 =	vand.u32 $0xFFFFFF80, v11;
	v9 =	vadd.s32 v9, v10;
	vm0 =	vmand vm10, vm11  }
0x42: {  	v10 =	vand.u32 $0x7F, v11;
	v9 =	vadd.s32 v14, v9;
	v11 =	vsel vm0, $0xFFFFFFFF, v5  }
0x43: {  	v14 =	vmul.f32 v12, v12;
	v9 =	vor.u32 v10, v9;
	v17 =	vadd.s32 v11, v13  }
0x44: {  	v13 =	vpop (erf);
	v18 =	vmul.u32 $0xFFFFFFE2, v17  }
0x45: {  	v10 =	vmul.f32 $1.111111120e-01, v14;
	v19 =	vsub.f32 $1.000000000e+00, v13;
	v20 =	vadd.s32 v6, v17  }
0x46: {  	vm12 =	vge.f32 v16, $0.0e+00;
	v23 =	vand.u32 $0xFFFFFF80, v20;
	v21 =	vpop (erf);
	v18 =	vadd.s32 v15, v18  }
0x47: {  	v22 =	vadd.f32 $1.428571490e-01, v10;
	v13 =	vsel vm12, v13, v19;
	v15 =	vadd.f32 $2.000000000e+00, v21  }
0x48: {  	v24 =	vshll.u32 v18, $0x7;
	v19 =	vmul.f32 v13, v13;
	v10 =	vld.idx.msk [tilespmem:v9+s2+$0x0], $0xffff;
	v9 =	vand.u32 $0x7F, v20  }
0x49: {  	v20 =	vadd.s32 v23, v24;
	(erf) = vrcp.f32 v15;
	v15 =	vmul.f32 v22, v14  }
0x4a: {  	s31 =	simm.s32 $0x40;
	v13 =	vsub.f32 $1.000000000e+00, v13;
	v20 =	vor.u32 v9, v20;
	v9 =	vadd.f32 $1.000000000e+00, v21  }
0x4b: {  	v26 =	vmov s31;
	v15 =	vadd.f32 $2.000000030e-01, v15  }
0x4c: {  	v59 =	vmul.f32 v13, v13;
	(erf) = vrcp.f32 v9;
	v9 =	vor.u32 s31, v4  }
0x4d: {  	vm13 =	vlt.s32 v9, $0x77;
	v23 =	vand.u32 $0x7FFFFFFF, v10;
	v15 =	vmul.f32 v15, v14  }
0x4e: {  	v13 =	vmul.f32 $-7.500000000e-01, v19;
	v19 =	vnsel vm13, $0x77, v9;
	v23 =	vsub.f32 $0.0e+00, v23  }
0x4f: {  	vm14 =	veq.s32 v26, v4;
	v20 =	vld.idx.msk [tilespmem:v20+s3+$0x0], $0xffff;
	v27 =	vmulhi.u32 $0x88888889, v19;
	v25 =	vadd.f32 $3.333333430e-01, v15  }
0x50: {  	v12 =	vadd.f32 v12, v12;
	v11 =	vimm.f32 $0.0e+00;
	v23 =	vmul.f32 $1.442695020e+00, v23  }
0x51: {  	v17 =	vadd.s32 v8, v17;
	v61 =	vshrl.u32 v27, $0x4;
	v14 =	vmul.f32 v25, v14  }
0x52: {  	v17 =	vshll.u32 v17, $0x7;
	v28 =	vmul.u32 $0xFFFFFFE2, v61;
	(erf) = vpow2.f32 v23  }
0x53: {  	v60 =	vand.u32 $0x7F, v18;
	v62 =	vsub.s32 $0x0, v19;
	v63 =	vadd.f32 $1.000000000e+00, v14  }
0x54: {  	v18 =	vand.u32 $0xFFFFFF80, v18;
	v20 =	vshll.u32 v20, $0xA;
	vm15 =	vne.s32 v28, v62;
	v23 =	vpop (erf)  }
0x55: {  	v17 =	vadd.s32 v17, v20;
	v14 =	vmul.f32 v23, v21;
	v21 =	vmul.f32 v63, v12  }
0x56: {  	v22 =	vmax.f32 v16, $0.0e+00;
	vm0 =	vmand vm14, vm15;
	v18 =	vadd.s32 v18, v17  }
0x57: {  	v20 =	vsel vm0, $0xFFFFFFFF, v5;
	v12 =	vmul.f32 v14, v14;
	v21 =	vadd.f32 v21, v22  }
0x58: {  	v15 =	vmul.f32 $2.500000000e-01, v59;
	v23 =	vor.u32 v60, v18;
	v20 =	vadd.s32 v20, v61;
	v17 =	vpop (erf)  }
0x59: {  	s4 =	sadd.s32 $0x600, s4;
	s5 =	simm.s32 $0x50;
	v18 =	vsub.f32 $1.000000000e+00, v17;
	v22 =	vmul.f32 $1.111111120e-01, v12;
	v16 =	vsub.f32 v21, v16  }
.LBB2_1:
0x5a: {  	p0 =	sne.s32 s5, $0x70;
	v24 =	vmul.u32 $0xFFFFFFE2, v20;
	vm0 =	vge.f32 v7, $0.0e+00;
	vm1 =	vlt.u32 v0, $0x78;
	v0 =	vmovc v1;
	v1 =	vmovc v3;
	s6 =	smov.u32 s5;
	s5 =	sadd.s32 $0x10, s5  }
0x5b: {  	v25 =	vadd.s32 v6, v20;
	v13 =	vmul.f32 v21, v13;
	v26 =	vpop (erf);
	v15 =	vmul.f32 v16, v15  }
0x5c: {  	v21 =	vadd.f32 $1.428571490e-01, v22;
	v3 =	vmovc v2;
	v2 =	vmovc v9;
	v16 =	vadd.s32 v19, v24;
	v19 =	vadd.f32 $2.000000000e+00, v26  }
0x5d: {  	v9 =	vand.u32 $0xFFFFFF80, v25;
	v22 =	vshll.u32 v16, $0x7;
	v24 =	vld.idx.msk [tilespmem:v23+s2+$0x0], $0xffff;
	v13 =	vadd.f32 v13, v15  }
0x5e: {  	v15 =	vand.u32 $0x7F, v25;
	v9 =	vadd.s32 v9, v22;
	(erf) = vrcp.f32 v19  }
0x5f: {  	v15 =	vor.u32 v15, v9;
	v9 =	vmul.f32 v21, v12;
	v13 =	vnsel vm1, $0x0, v13  }
0x60: {  	v17 =	vsel vm0, v17, v18;
	v19 =	vadd.f32 $1.000000000e+00, v26;
	v11 =	vadd.f32 v13, v11  }
0x61: {  	v13 =	vmul.f32 v17, v17;
	v17 =	vsub.f32 $1.000000000e+00, v17;
	v9 =	vadd.f32 $2.000000030e-01, v9  }
0x62: {  	v18 =	vmax.f32 v7, $0.0e+00;
	v21 =	vadd.f32 v14, v14;
	(erf) = vrcp.f32 v19  }
0x63: {  	v14 =	vand.u32 $0x7FFFFFFF, v24;
	v17 =	vmul.f32 v17, v17;
	v19 =	vmul.f32 v9, v12  }
0x64: {  	v13 =	vmul.f32 $-7.500000000e-01, v13;
	v9 =	vor.u32 s6, v4;
	v14 =	vsub.f32 $0.0e+00, v14;
	v22 =	vld.idx.msk [tilespmem:v15+s3+$0x0], $0xffff  }
0x65: {  	vm0 =	vlt.s32 v9, $0x77;
	v15 =	vmul.f32 $2.500000000e-01, v17;
	v23 =	vadd.f32 $3.333333430e-01, v19  }
0x66: {  	v25 =	vand.u32 $0x7F, v16;
	v19 =	vnsel vm0, $0x77, v9;
	v14 =	vmul.f32 $1.442695020e+00, v14  }
0x67: {  	v17 =	vmov s6;
	v27 =	vmulhi.u32 $0x88888889, v19;
	v28 =	vpop (erf);
	v12 =	vmul.f32 v23, v12  }
0x68: {  	vm0 =	veq.s32 v17, v4;
	v17 =	vadd.s32 v8, v20;
	(erf) = vpow2.f32 v14  }
0x69: {  	v23 =	vsub.s32 $0x0, v19;
	v20 =	vshrl.u32 v27, $0x4;
	v12 =	vadd.f32 $1.000000000e+00, v12  }
0x6a: {  	v14 =	vmul.f32 v28, v26;
	v27 =	vmul.u32 $0xFFFFFFE2, v20;
	v22 =	vshll.u32 v22, $0xA  }
.Ltmp0:
0x6b: {  	v16 =	vand.u32 $0xFFFFFF80, v16;
	v26 =	vshll.u32 v17, $0x7;
	v17 =	vpop (erf);
	v21 =	vmul.f32 v12, v21;
	(pc) =	sbr.rel @p0 .LBB2_1-.Ltmp0, $4  }
0x6c: {  	v22 =	vadd.s32 v26, v22;
	vm1 =	vne.s32 v27, v23;
	v12 =	vmul.f32 v14, v14  }
0x6d: {  	v16 =	vadd.s32 v16, v22;
	vm0 =	vmand vm0, vm1;
	v21 =	vadd.f32 v21, v18  }
0x6e: {  	v23 =	vor.u32 v25, v16;
	v18 =	vsel vm0, $0xFFFFFFFF, v5;
	v22 =	vmul.f32 $1.111111120e-01, v12  }
0x6f: {  	v20 =	vadd.s32 v18, v20;
	v18 =	vsub.f32 $1.000000000e+00, v17;
	v16 =	vsub.f32 v21, v7;
	v7 =	vmovc v10;
	v10 =	vmovc v24  }
0x70: {  	v4 =	vmul.u32 $0xFFFFFFE2, v20;
	_ =	sdelay $0x1  }
0x71: {  	v5 =	vadd.s32 v6, v20;
	v42 =	vadd.s32 v19, v4  }
0x72: {  	v43 =	vand.u32 $0xFFFFFF80, v5;
	v19 =	vshll.u32 v42, $0x7  }
0x73: {  	v5 =	vand.u32 $0x7F, v5;
	v4 =	vadd.s32 v43, v19  }
0x74: {  	v5 =	vor.u32 v5, v4;
	_ =	sdelay $0x3  }
0x75: {  	v4 =	vld.idx.msk [tilespmem:v23+s2+$0x0], $0xffff  }
0x76: {  	v5 =	vld.idx.msk [tilespmem:v5+s3+$0x0], $0xffff;
	_ =	sdelay $0x2  }
0x77: {  	v8 =	vadd.s32 v8, v20;
	v44 =	vpop (erf)  }
0x78: {  	v8 =	vshll.u32 v8, $0x7;
	v45 =	vadd.f32 $2.000000000e+00, v44;
	v46 =	vand.u32 $0x7FFFFFFF, v4  }
0x79: {  	v48 =	vadd.f32 $1.000000000e+00, v44;
	v47 =	vsub.f32 $0.0e+00, v46;
	v5 =	vshll.u32 v5, $0xA  }
0x7a: {  	v24 =	vand.u32 $0xFFFFFF80, v42;
	v6 =	vand.u32 $0x7F, v42;
	v5 =	vadd.s32 v8, v5  }
0x7b: {  	(erf) = vrcp.f32 v45;
	v49 =	vmul.f32 $1.442695020e+00, v47;
	v5 =	vadd.s32 v24, v5  }
0x7c: {  	(erf) = vrcp.f32 v48;
	v5 =	vor.u32 v6, v5  }
0x7d: {  	(erf) = vpow2.f32 v49;
	_ =	sdelay $0x3  }
0x7e: {  	v5 =	vld.idx.msk [tilespmem:v5+s2+$0x0], $0xffff;
	_ =	sdelay $0x2  }
0x7f: {  	v50 =	vpop (erf)  }
0x80: {  	v51 =	vpop (erf)  }
0x81: {  	v52 =	vpop (erf);
	v53 =	vand.u32 $0x7FFFFFFF, v5  }
0x82: {  	v54 =	vadd.f32 $2.000000000e+00, v52;
	v23 =	vsub.f32 $0.0e+00, v53  }
0x83: {  	v25 =	vadd.f32 $1.000000000e+00, v52  }
0x84: {  	(erf) = vrcp.f32 v54;
	v23 =	vmul.f32 $1.442695020e+00, v23  }
0x85: {  	(erf) = vrcp.f32 v25  }
0x86: {  	(erf) = vpow2.f32 v23;
	_ =	sdelay $0x6  }
0x87: {  	v55 =	vpop (erf)  }
0x88: {  	v22 =	vadd.f32 $1.428571490e-01, v22;
	v56 =	vpop (erf)  }
0x89: {  	v57 =	vpop (erf)  }
0x8a: {  	v22 =	vmul.f32 v22, v12;
	v58 =	vadd.f32 $2.000000000e+00, v57  }
0x8b: {  	v13 =	vmul.f32 v21, v13  }
0x8c: {  	v22 =	vadd.f32 $2.000000030e-01, v22;
	v6 =	vmul.f32 v50, v44;
	(erf) = vrcp.f32 v58  }
0x8d: {  	vm0 =	vge.f32 v7, $0.0e+00;
	vm8 =	vlt.u32 v0, $0x78;
	v14 =	vadd.f32 v14, v14  }
0x8e: {  	v28 =	vmax.f32 v7, $0.0e+00;
	v22 =	vmul.f32 v22, v12;
	v59 =	vmul.f32 v6, v6  }
0x8f: {  	vm9 =	vge.f32 v10, $0.0e+00;
	vm1 =	vlt.u32 v1, $0x78;
	v15 =	vmul.f32 v16, v15  }
0x90: {  	v41 =	vmax.f32 v10, $0.0e+00;
	v60 =	vadd.f32 $3.333333430e-01, v22;
	v61 =	vmul.f32 $1.111111120e-01, v59  }
0x91: {  	vm11 =	vlt.u32 v3, $0x78;
	v62 =	vsel vm0, v17, v18;
	v13 =	vadd.f32 v13, v15  }
0x92: {  	v15 =	vmul.f32 v62, v62;
	v63 =	vmul.f32 v60, v12;
	v26 =	vadd.f32 $1.428571490e-01, v61  }
0x93: {  	v13 =	vnsel vm8, $0x0, v13;
	v22 =	vsub.f32 $1.000000000e+00, v62;
	v27 =	vmul.f32 v55, v52  }
0x94: {  	v15 =	vmul.f32 $-7.500000000e-01, v15;
	v12 =	vadd.f32 $1.000000000e+00, v63;
	v16 =	vmul.f32 v26, v59  }
0x95: {  	v11 =	vadd.f32 v13, v11;
	v0 =	vmul.f32 v22, v22;
	v29 =	vmul.f32 v27, v27;
	v30 =	vpop (erf)  }
0x96: {  	v12 =	vmul.f32 v12, v14;
	v16 =	vadd.f32 $2.000000030e-01, v16;
	v17 =	vmul.f32 v30, v57  }
0x97: {  	vm10 =	vge.f32 v4, $0.0e+00;
	v31 =	vsub.f32 $1.000000000e+00, v51;
	v33 =	vmul.f32 $1.111111120e-01, v29  }
0x98: {  	v12 =	vadd.f32 v12, v28;
	v16 =	vmul.f32 v16, v59;
	v35 =	vmul.f32 v17, v17  }
0x99: {  	v0 =	vmul.f32 $2.500000000e-01, v0;
	v8 =	vsel vm9, v51, v31;
	v36 =	vadd.f32 $1.428571490e-01, v33  }
0x9a: {  	v32 =	vsub.f32 v12, v7;
	v34 =	vadd.f32 $3.333333430e-01, v16;
	v37 =	vmul.f32 $1.111111120e-01, v35  }
0x9b: {  	v12 =	vmul.f32 v12, v15;
	v38 =	vadd.f32 $1.000000000e+00, v57;
	v7 =	vmul.f32 v36, v29  }
0x9c: {  	v39 =	vmul.f32 v8, v8;
	v1 =	vmul.f32 v34, v59;
	v15 =	vadd.f32 $1.428571490e-01, v37  }
0x9d: {  	v8 =	vsub.f32 $1.000000000e+00, v8;
	v7 =	vadd.f32 $2.000000030e-01, v7;
	(erf) = vrcp.f32 v38  }
0x9e: {  	v6 =	vadd.f32 v6, v6;
	v1 =	vadd.f32 $1.000000000e+00, v1;
	v40 =	vmul.f32 v15, v35  }
0x9f: {  	v51 =	vmax.f32 v4, $0.0e+00;
	v0 =	vmul.f32 v32, v0;
	v7 =	vmul.f32 v7, v29  }
0xa0: {  	v8 =	vmul.f32 v8, v8;
	v1 =	vmul.f32 v1, v6;
	v6 =	vadd.f32 $2.000000030e-01, v40  }
0xa1: {  	v42 =	vmul.f32 $-7.500000000e-01, v39;
	v0 =	vadd.f32 v12, v0;
	v7 =	vadd.f32 $3.333333430e-01, v7  }
0xa2: {  	v8 =	vmul.f32 $2.500000000e-01, v8;
	v1 =	vadd.f32 v1, v41;
	v6 =	vmul.f32 v6, v35  }
0xa3: {  	v0 =	vnsel vm1, $0x0, v0;
	v43 =	vsub.f32 $1.000000000e+00, v56;
	v45 =	vmul.f32 v7, v29  }
0xa4: {  	vm12 =	vge.f32 v5, $0.0e+00;
	v44 =	vsub.f32 v1, v10;
	v6 =	vadd.f32 $3.333333430e-01, v6  }
0xa5: {  	v54 =	vmax.f32 v5, $0.0e+00;
	v48 =	vadd.f32 v27, v27;
	v3 =	vadd.f32 $1.000000000e+00, v45  }
0xa6: {  	v47 =	vsel vm10, v56, v43;
	v46 =	vmul.f32 v44, v8;
	v50 =	vpop (erf);
	v6 =	vmul.f32 v6, v35  }
0xa7: {  	v8 =	vsub.f32 $1.000000000e+00, v47;
	v3 =	vmul.f32 v3, v48;
	v52 =	vsub.f32 $1.000000000e+00, v50  }
0xa8: {  	v49 =	vmul.f32 v47, v47;
	v53 =	vadd.f32 v17, v17;
	v6 =	vadd.f32 $1.000000000e+00, v6  }
0xa9: {  	v8 =	vmul.f32 v8, v8;
	v3 =	vadd.f32 v3, v51;
	v10 =	vsel vm12, v50, v52  }
0xaa: {  	v1 =	vmul.f32 v1, v42;
	v13 =	vsub.f32 $1.000000000e+00, v10;
	v6 =	vmul.f32 v6, v53  }
0xab: {  	v12 =	vmul.f32 $-7.500000000e-01, v49;
	v8 =	vmul.f32 $2.500000000e-01, v8;
	v4 =	vsub.f32 v3, v4  }
0xac: {  	v10 =	vmul.f32 v10, v10;
	v13 =	vmul.f32 v13, v13;
	v6 =	vadd.f32 v6, v54  }
0xad: {  	v1 =	vadd.f32 v1, v46;
	v3 =	vmul.f32 v3, v12;
	v4 =	vmul.f32 v4, v8  }
0xae: {  	v55 =	vmul.f32 $-7.500000000e-01, v10;
	v56 =	vmul.f32 $2.500000000e-01, v13;
	v5 =	vsub.f32 v6, v5  }
0xaf: {  	v0 =	vadd.f32 v0, v11;
	v1 =	vnsel vm11, $0x0, v1  }
0xb0: {  	v3 =	vadd.f32 v3, v4;
	v57 =	vmul.f32 v6, v55;
	v5 =	vmul.f32 v5, v56  }
0xb1: {  	vm13 =	vlt.u32 v2, $0x78;
	v0 =	vadd.f32 v1, v0  }
0xb2: {  	v58 =	vnsel vm13, $0x0, v3;
	v59 =	vadd.f32 v57, v5  }
0xb3: {  	vm14 =	vlt.u32 v9, $0x78;
	v0 =	vadd.f32 v58, v0  }
0xb4: {  	v60 =	vnsel vm14, $0x0, v59  }
0xb5: {  	v0 =	vadd.f32 v60, v0;
	_ =	sdelay $0x1  }
0xb6: {  	(xrf2) =	vadd.scan.msk.f32 $0xffff, v0;
	_ =	sdelay $0x2  }
0xb7: {  	v61 =	vimm.f32 $1.920000000e+03  }
0xb8: {  	(erf) = vrcp.f32 v61;
	_ =	sdelay $0x5  }
0xb9: {  	v62, _, _ =	vpop (xrf2)  }
0xba: {  	v0 =	vbroadcast v62, $0xF  }
0xbb: {  	vm15 =	vmmov $0x1  }
0xbc: {  	v63 =	vpop (erf);
	v0 =	vnsel vm15, $0x0, v0  }
0xbd: {  	v0 =	vmul.f32 v0, v63  }
0xbe: {  	s28 =	sshll.u32 s1, $0x4;
	s29 =	simm.s32 $0x0  }
0xbf: {  	s30 =	simm.s32 $0x1C00;
	s31 =	simm.s32 $0x2;
	s2 =	sadd.s32 s4, s28;
	[tilespmem:$0x1C00] =	vst v0  }
0xc0: {  	[hbm4b:s2+s29] =	stream.linear.scatter [tilespmem:s30], [sflag:$0x2], $0x80, $0x38;
	[tilespmem:$0x1C80] =	vst v63  }
0xc1: {  	_ =	swait.ge [sflag:s31], $0x80  }
0xc2: {  	[sflag:s31] =	ssyncset.done $0x0  }
0xc3: {  	[sflag:s31] =	ssyncadd.s32 $0xFFFFFF80  }
0xc4: {  	_ =	sfence.sel $0x180000  }
0xc5: {  	[bflag:$0x0] =	sbarrier.arrive $0xFFFF  }
0xc6: {  	p0 =	sne.s32 s1, $0x0;
	_ =	strace $0x90000047  }
0xc7: {  	s0 =	sadd.s32 @!p0 $0x100000, s0;
	[bflag:$0x2] =	sbarrier.arrive $0xFFFF  }
0xc8: {  	[sflag:s0] =	ssyncadd.tile.s32 @!p0 $0x1;
	_ =	shalt  }
.Lfunc_end2:
_tile_overlayer_lowered:
.L_overlay_start_2:
0xc9: {  	(tag) =	ssettag $0x2  }
0xca: {  	s0 =	rddreg [dreg:$0x0];
	s2 =	stileid.u32  }
0xcb: {  	s1 =	rddreg [dreg:$0x1];
	p0 =	sne.s32 s2, $0x0  }
0xcc: {  	s3 =	rddreg [dreg:$0x2];
	[bflag:$0x3] =	sbarrier.arrive $0xFFFF;
	s2 =	simm.s32 @!p0 $0x1C02  }
0xcd: {  	[timem:s3], [sflag:s2] =	dma.local @!p0 [hbm:s0], s1  }
0xce: {  	s0 =	simm.s32 @!p0 $0x2  }
0xcf: {  	_ =	swait.ge @!p0 [sflag:s0], s1  }
0xd0: {  	s1 =	ssub.s32 @!p0 $0x0, s1;
	[sflag:s0] =	ssyncset.done @!p0 $0x0  }
0xd1: {  	[sflag:s0] =	ssyncadd.s32 @!p0 s1  }
0xd2: {  	[bflag:$0x3] =	sbarrier.arrive $0xFFFF  }
0xd3: {  	_ =	shalt  }

</sc_bundles>
